<compile_context>
chip_gen: v7x
topology: tpu7x:2x2x1
jax: 0.10.2.dev20260603
libtpu: 0.0.44.dev20260713+nightly
codegen_flags: <defaults>
</compile_context>

<pallas_src>
import functools

import jax
import jax.numpy as jnp
from jax import lax
from jax.experimental import pallas as pl
from jax.experimental.pallas import tpu as pltpu
from jax.experimental.pallas import tpu_sc as plsc

N = 10000
E = 160000
D = 256
NP = 10240
CH = 128
NCHUNK = 80
EP = 16 * NCHUNK * CH
PAD = EP - E
DEG_W = EP // 32
ROWS_T = NP // 16

_mesh = plsc.VectorSubcoreMesh(core_axis_name="c", subcore_axis_name="s")
_sc_params = pltpu.CompilerParams(needs_layout_passes=False)


@functools.partial(
    pl.kernel, mesh=_mesh,
    out_type=jax.ShapeDtypeStruct((32, NP), jnp.float32),
    compiler_params=_sc_params,
    scratch_types=[
        pltpu.VMEM((NP,), jnp.float32),
        pltpu.VMEM((DEG_W,), jnp.int32),
    ],
)
def _deg_kernel(col_hbm, out_hbm, degv, colv):
    c = lax.axis_index("c")
    s = lax.axis_index("s")
    w = s * 2 + c
    zero = jnp.zeros((16,), jnp.float32)

    def zbody(i, carry):
        degv[pl.ds(i * 16, 16)] = zero
        return carry

    lax.fori_loop(0, NP // 16, zbody, 0)
    pltpu.sync_copy(col_hbm.at[w], colv)
    ones = jnp.ones((16,), jnp.float32)

    def body(i, carry):
        v = colv[pl.ds(i * 16, 16)]
        idx = lax.shift_right_logical(v, 16)
        plsc.addupdate_scatter(degv, [idx], ones)
        return carry

    lax.fori_loop(0, DEG_W // 16, body, 0)
    pltpu.sync_copy(degv, out_hbm.at[w])


@functools.partial(
    pl.kernel, mesh=_mesh,
    out_type=jax.ShapeDtypeStruct((NP, D), jnp.float32),
    compiler_params=_sc_params,
    scratch_types=[
        pltpu.VMEM((NCHUNK, CH), jnp.int32),
        pltpu.VMEM((1, CH), jnp.int32),
        pltpu.VMEM((1, CH), jnp.int32),
        pltpu.VMEM((1, CH), jnp.int32),
        pltpu.VMEM((1, CH), jnp.int32),
        pltpu.VMEM((CH, 128), jnp.float32),
        pltpu.VMEM((CH, 128), jnp.float32),
        pltpu.VMEM((ROWS_T,), jnp.float32),
        pltpu.VMEM((128,), jnp.float32),
        pltpu.VMEM_SHARED((NP, 128), jnp.float32),
        pltpu.SemaphoreType.DMA,
        pltpu.SemaphoreType.DMA,
    ],
)
def _edge_kernel(g_hbm, idx_hbm, dinv_hbm, b_hbm, out_hbm, idxv, rA, cA, rB,
                 cB, gbuf, gbuf1, dv, bv, acc, sem, sem1):
    c = lax.axis_index("c")
    s = lax.axis_index("s")

    def ibody(r, carry):
        base = s * ROWS_T + r * CH
        pltpu.sync_copy(g_hbm.at[pl.ds(c * NP + base, CH)], gbuf)
        pltpu.sync_copy(gbuf, acc.at[pl.ds(base, CH)])
        return carry

    lax.fori_loop(0, ROWS_T // CH, ibody, 0)
    pltpu.sync_copy(idx_hbm.at[c, s], idxv)
    pltpu.sync_copy(dinv_hbm.at[c, 0, pl.ds(s * ROWS_T, ROWS_T)], dv)
    pltpu.sync_copy(b_hbm.at[c], bv)
    plsc.subcore_barrier()

    def unpack(j, rbuf, cbuf):
        for k in range(CH // 16):
            v = idxv[j, pl.ds(k * 16, 16)]
            rbuf[0, pl.ds(k * 16, 16)] = jnp.bitwise_and(v, 0xFFFF)
            cbuf[0, pl.ds(k * 16, 16)] = lax.shift_right_logical(v, 16)

    def gath(rbuf, buf, sm):
        pltpu.async_copy(g_hbm.at[rbuf.at[0, pl.ds(0, 64)]],
                         buf.at[pl.ds(0, 64)], sm)
        pltpu.async_copy(g_hbm.at[rbuf.at[0, pl.ds(64, 64)]],
                         buf.at[pl.ds(64, 64)], sm)

    def waitg(buf, sm):
        pltpu.make_async_copy(g_hbm.at[rA.at[0]], buf, sm).wait()

    unpack(0, rA, cA)
    gath(rA, gbuf, sem)

    def ebody(i, carry):
        j = 2 * i
        unpack(j + 1, rB, cB)
        gath(rB, gbuf1, sem1)
        waitg(gbuf, sem)
        pltpu.sync_copy(gbuf, acc.at[cA.at[0]], add=True)
        jn = jnp.where(j + 2 >= NCHUNK, 0, j + 2)
        unpack(jn, rA, cA)
        gath(rA, gbuf, sem)
        waitg(gbuf1, sem1)
        pltpu.sync_copy(gbuf1, acc.at[cB.at[0]], add=True)
        return carry

    lax.fori_loop(0, NCHUNK // 2, ebody, 0)
    waitg(gbuf, sem)
    plsc.subcore_barrier()

    def obody(r, carry):
        base = s * ROWS_T + r * CH
        pltpu.sync_copy(acc.at[pl.ds(base, CH)], gbuf)

        def rbody(t4, carry2):
            for dt in range(4):
                t = t4 * 4 + dt
                dval = plsc.load_gather(
                    dv, [jnp.zeros((16,), jnp.int32) + (r * CH + t)])
                for kk in range(128 // 16):
                    sl = pl.ds(kk * 16, 16)
                    gbuf[t, sl] = gbuf[t, sl] * dval + bv[sl]
            return carry2

        lax.fori_loop(0, CH // 4, rbody, 0)
        pltpu.sync_copy(gbuf,
                        out_hbm.at[pl.ds(base, CH), pl.ds(c * 128, 128)])
        return carry

    lax.fori_loop(0, ROWS_T // CH, obody, 0)


def _mm_kernel(x_ref, w_ref, degp_ref, g_ref, dinv_ref):
    deg = jnp.sum(degp_ref[...], axis=0) + 1.0
    dinv = lax.rsqrt(deg)
    h = lax.dot_general(x_ref[...], w_ref[...], (((1,), (1,)), ((), ())),
                        preferred_element_type=jnp.float32)
    g_ref[...] = h * dinv[:, None]
    dinv_ref[...] = dinv.reshape(1, 1, -1)


_RB = 512
_NB = NP // _RB


def kernel(x, edge_index, edge_weight, weights, W, b, selected_idx):
    row = edge_index[0]
    col = edge_index[1]
    rowp = jnp.concatenate([row, jnp.zeros((PAD,), jnp.int32)])
    colp = jnp.concatenate([col, jnp.full((PAD,), N, jnp.int32)])
    pack2 = jnp.stack([rowp, rowp + NP]) + (colp << 16)[None, :]
    colA = pack2[0].reshape(32, DEG_W)
    idxC = pack2.reshape(2, 16, NCHUNK, CH)
    xp = jnp.pad(x, ((0, NP - N), (0, 0)))

    degp = _deg_kernel(colA)

    g, dinv2 = pl.pallas_call(
        _mm_kernel,
        grid=(2, _NB),
        in_specs=[
            pl.BlockSpec((_RB, D), lambda h, i: (i, 0)),
            pl.BlockSpec((128, D), lambda h, i: (h, 0)),
            pl.BlockSpec((32, _RB), lambda h, i: (0, i)),
        ],
        out_specs=[
            pl.BlockSpec((_RB, 128), lambda h, i: (h * _NB + i, 0)),
            pl.BlockSpec((1, 1, _RB), lambda h, i: (h, 0, i)),
        ],
        out_shape=[
            jax.ShapeDtypeStruct((2 * NP, 128), jnp.float32),
            jax.ShapeDtypeStruct((2, 1, NP), jnp.float32),
        ],
    )(xp, W, degp)

    out = _edge_kernel(g, idxC, dinv2, b.reshape(2, 128))

    return out[:N]

# --- scband reference (transcript-rebuilt; emitter-appended) ---
"""Pipeline reference for scband-mixed-op-25400436589267 (READ-ONLY COPY).

The authoritative reference and input builder live on the scoring server;
editing this copy changes nothing except your own understanding.
"""

import jax, jax.numpy as jnp
import numpy as np

N = 10000
E = 160000
D_IN = 256
D_OUT = 256


def setup_inputs(seed: int = 0) -> dict:
    key = jax.random.key(seed)
    k1, k2, k3, k4, k5 = jax.random.split(key, 5)
    x = jax.random.normal(k1, (N, D_IN), dtype=jnp.float32)
    edge_index = jax.random.randint(k2, (2, E), 0, N, dtype=jnp.int32)
    edge_weight = jax.random.uniform(k3, (E,), dtype=jnp.float32)
    weights = jax.random.uniform(k4, (5,), dtype=jnp.float32)
    # GCNConv internal Linear (no bias inside lin; bias added after aggregation)
    limit = (6.0 / (D_IN + D_OUT)) ** 0.5
    W = jax.random.uniform(k5, (D_OUT, D_IN), minval=-limit, maxval=limit, dtype=jnp.float32)
    b = jnp.zeros((D_OUT,), dtype=jnp.float32)
    return {"x": x, "edge_index": edge_index, "edge_weight": edge_weight,
            "weights": weights, "W": W, "b": b, "selected_idx": 1}


def reference(x, edge_index, edge_weight, weights, W, b, selected_idx):
    # MixedOp with selected_idx=1 dispatches to self._ops[1] = GCNConv(add_self_loops=True,
    # normalize=True), called as op(x, edge_index) (edge_weight is NOT forwarded on this path).
    n = x.shape[0]
    row = edge_index[0]
    col = edge_index[1]
    # add self loops with fill_value=1
    loop = jnp.arange(n, dtype=row.dtype)
    row = jnp.concatenate([row, loop])
    col = jnp.concatenate([col, loop])
    ew = jnp.ones(row.shape[0], dtype=x.dtype)
    # symmetric gcn normalization: deg over destination (col)
    deg = jax.ops.segment_sum(ew, col, num_segments=n)
    dinv = jnp.where(deg > 0, deg ** -0.5, 0.0)
    norm = dinv[row] * ew * dinv[col]
    # linear transform then message passing (gather from row, scatter-add to col)
    h = x @ W.T
    msg = norm[:, None] * jnp.take(h, row, axis=0)
    out = jax.ops.segment_sum(msg, col, num_segments=n)
    out = out + b
    return out

if __name__ == "__main__":
    import jax
    _d = setup_inputs()
    print(jax.jit(kernel)(*tuple(_d.values())))

</pallas_src>

<mosaic_0001>
#map = affine_map<(d0, d1) -> (0, 0)>
module attributes {stable_mosaic.version = 14 : i64} {
  func.func @_deg_kernel(%arg0: i32, %arg1: i32, %arg2: memref<32x5120xi32, #tpu.memory_space<hbm>>, %arg3: memref<32x10240xf32, #tpu.memory_space<hbm>>, %arg4: memref<10240xf32, #tpu.memory_space<vmem>>, %arg5: memref<5120xi32, #tpu.memory_space<vmem>>) attributes {dimension_semantics = [#tpu.dimension_semantics<core_parallel>, #tpu.dimension_semantics<subcore_parallel>], iteration_bounds = array<i64: 2, 16>, scalar_prefetch = 0 : i64, scratch_operands = 2 : i64, tpu.core_type = #tpu.core_type<sc_vector_subcore>, window_params = [{transform_indices = #map}, {transform_indices = #map}]} {
    %mul3A = arith.constant 2 : i32
    %mul3A_0 = arith.muli %arg1, %mul3A : i32
    %add3A = arith.addi %mul3A_0, %arg0 : i32
    %broadcast_in_dim3A = arith.constant 0.000000e+00 : f32
    %broadcast_in_dim3A_1 = vector.broadcast %broadcast_in_dim3A : f32 to vector<16xf32>
    %scan3A = arith.constant 0 : i32
    %scan3A_2 = arith.constant 0 : i32
    %scan3A_3 = arith.constant 640 : i32
    %scan3A_4 = arith.addi %scan3A_2, %scan3A_3 : i32
    %scan3A_5 = arith.constant 1 : i32
    scf.for %scan3A_15 = %scan3A_2 to %scan3A_4 step %scan3A_5  : i32 {
      %mul3A_16 = arith.constant 16 : i32
      %mul3A_17 = arith.muli %scan3A_15, %mul3A_16 : i32
      %swap3A = arith.index_cast %mul3A_17 : i32 to index
      %swap3A_18 = tpu.vector_load %arg4[%swap3A] {strides = array<i32>} : memref<10240xf32, #tpu.memory_space<vmem>>, vector<16xf32>,
      tpu.vector_store %arg4[%swap3A], %broadcast_in_dim3A_1 {strides = array<i32>} : memref<10240xf32, #tpu.memory_space<vmem>>, vector<16xf32>,
    }
    %scan3A_6 = arith.constant 640 : i32
    "tpu.region"() ({
      %run_scoped3A = tpu.sem_alloc : memref<!tpu.dma_semaphore, #tpu.memory_space<semaphore_mem>>
      %dma_start3A = arith.constant 0 : i32
      %dma_start3A_15 = tpu.memref_slice %arg2[%add3A, %dma_start3A] : memref<32x5120xi32, #tpu.memory_space<hbm>> -> memref<1x5120xi32, #tpu.memory_space<hbm>>
      %dma_start3A_16 = tpu.memref_squeeze %dma_start3A_15 : memref<1x5120xi32, #tpu.memory_space<hbm>> -> memref<5120xi32, #tpu.memory_space<hbm>>
      %dma_start3A_17 = arith.constant 0 : i32
      %dma_start3A_18 = tpu.memref_slice %arg2[%add3A, %dma_start3A_17] : memref<32x5120xi32, #tpu.memory_space<hbm>> -> memref<1x5120xi32, #tpu.memory_space<hbm>>
      %dma_start3A_19 = tpu.memref_squeeze %dma_start3A_18 : memref<1x5120xi32, #tpu.memory_space<hbm>> -> memref<5120xi32, #tpu.memory_space<hbm>>
      tpu.enqueue_dma source(%dma_start3A_19 : memref<5120xi32, #tpu.memory_space<hbm>>) target(%arg5 : memref<5120xi32, #tpu.memory_space<vmem>>) target_semaphore(%run_scoped3A : memref<!tpu.dma_semaphore, #tpu.memory_space<semaphore_mem>>)
      %dma_wait3A = arith.constant 0 : i32
      %dma_wait3A_20 = tpu.memref_slice %arg2[%add3A, %dma_wait3A] : memref<32x5120xi32, #tpu.memory_space<hbm>> -> memref<1x5120xi32, #tpu.memory_space<hbm>>
      %dma_wait3A_21 = tpu.memref_squeeze %dma_wait3A_20 : memref<1x5120xi32, #tpu.memory_space<hbm>> -> memref<5120xi32, #tpu.memory_space<hbm>>
      %dma_wait3A_22 = arith.constant 0 : i32
      %dma_wait3A_23 = tpu.memref_slice %arg2[%add3A, %dma_wait3A_22] : memref<32x5120xi32, #tpu.memory_space<hbm>> -> memref<1x5120xi32, #tpu.memory_space<hbm>>
      %dma_wait3A_24 = tpu.memref_squeeze %dma_wait3A_23 : memref<1x5120xi32, #tpu.memory_space<hbm>> -> memref<5120xi32, #tpu.memory_space<hbm>>
      tpu.wait_dma2 semaphore(%run_scoped3A : memref<!tpu.dma_semaphore, #tpu.memory_space<semaphore_mem>>) src(%dma_wait3A_24 : memref<5120xi32, #tpu.memory_space<hbm>>) dst(%arg5 : memref<5120xi32, #tpu.memory_space<vmem>>)
      tpu.yield
    }) : () -> ()
    %broadcast_in_dim3A_7 = arith.constant 1.000000e+00 : f32
    %broadcast_in_dim3A_8 = vector.broadcast %broadcast_in_dim3A_7 : f32 to vector<16xf32>
    %scan3A_9 = arith.constant 0 : i32
    %scan3A_10 = arith.constant 0 : i32
    %scan3A_11 = arith.constant 320 : i32
    %scan3A_12 = arith.addi %scan3A_10, %scan3A_11 : i32
    %scan3A_13 = arith.constant 1 : i32
    scf.for %scan3A_15 = %scan3A_10 to %scan3A_12 step %scan3A_13  : i32 {
      %mul3A_16 = arith.constant 16 : i32
      %mul3A_17 = arith.muli %scan3A_15, %mul3A_16 : i32
      %get3A = arith.index_cast %mul3A_17 : i32 to index
      %get3A_18 = tpu.vector_load %arg5[%get3A] {strides = array<i32>} : memref<5120xi32, #tpu.memory_space<vmem>>, vector<16xi32>,
      %shift_right_logical3A = arith.constant 16 : i32
      %shift_right_logical3A_19 = vector.broadcast %shift_right_logical3A : i32 to vector<16xi32>
      %shift_right_logical3A_20 = arith.shrui %get3A_18, %shift_right_logical3A_19 : vector<16xi32>
      tpu.vector_store_idx %arg4[%shift_right_logical3A_20], %broadcast_in_dim3A_8 {add = true} : memref<10240xf32, #tpu.memory_space<vmem>>[vector<16xi32>], vector<16xf32>,
    }
    %scan3A_14 = arith.constant 320 : i32
    "tpu.region"() ({
      %run_scoped3A = tpu.sem_alloc : memref<!tpu.dma_semaphore, #tpu.memory_space<semaphore_mem>>
      %dma_start3A = arith.constant 0 : i32
      %dma_start3A_15 = tpu.memref_slice %arg3[%add3A, %dma_start3A] : memref<32x10240xf32, #tpu.memory_space<hbm>> -> memref<1x10240xf32, #tpu.memory_space<hbm>>
      %dma_start3A_16 = tpu.memref_squeeze %dma_start3A_15 : memref<1x10240xf32, #tpu.memory_space<hbm>> -> memref<10240xf32, #tpu.memory_space<hbm>>
      %dma_start3A_17 = arith.constant 0 : i32
      %dma_start3A_18 = tpu.memref_slice %arg3[%add3A, %dma_start3A_17] : memref<32x10240xf32, #tpu.memory_space<hbm>> -> memref<1x10240xf32, #tpu.memory_space<hbm>>
      %dma_start3A_19 = tpu.memref_squeeze %dma_start3A_18 : memref<1x10240xf32, #tpu.memory_space<hbm>> -> memref<10240xf32, #tpu.memory_space<hbm>>
      tpu.enqueue_dma source(%arg4 : memref<10240xf32, #tpu.memory_space<vmem>>) target(%dma_start3A_19 : memref<10240xf32, #tpu.memory_space<hbm>>) target_semaphore(%run_scoped3A : memref<!tpu.dma_semaphore, #tpu.memory_space<semaphore_mem>>)
      %dma_wait3A = arith.constant 0 : i32
      %dma_wait3A_20 = tpu.memref_slice %arg3[%add3A, %dma_wait3A] : memref<32x10240xf32, #tpu.memory_space<hbm>> -> memref<1x10240xf32, #tpu.memory_space<hbm>>
      %dma_wait3A_21 = tpu.memref_squeeze %dma_wait3A_20 : memref<1x10240xf32, #tpu.memory_space<hbm>> -> memref<10240xf32, #tpu.memory_space<hbm>>
      %dma_wait3A_22 = arith.constant 0 : i32
      %dma_wait3A_23 = tpu.memref_slice %arg3[%add3A, %dma_wait3A_22] : memref<32x10240xf32, #tpu.memory_space<hbm>> -> memref<1x10240xf32, #tpu.memory_space<hbm>>
      %dma_wait3A_24 = tpu.memref_squeeze %dma_wait3A_23 : memref<1x10240xf32, #tpu.memory_space<hbm>> -> memref<10240xf32, #tpu.memory_space<hbm>>
      tpu.wait_dma2 semaphore(%run_scoped3A : memref<!tpu.dma_semaphore, #tpu.memory_space<semaphore_mem>>) src(%arg4 : memref<10240xf32, #tpu.memory_space<vmem>>) dst(%dma_wait3A_24 : memref<10240xf32, #tpu.memory_space<hbm>>)
      tpu.yield
    }) : () -> ()
    return
  }
}

#map = affine_map<(d0, d1) -> (0, 0)>
#map1 = affine_map<(d0, d1) -> (0, 0, 0, 0)>
#map2 = affine_map<(d0, d1) -> (0, 0, 0)>
module attributes {stable_mosaic.version = 14 : i64} {
  func.func @_edge_kernel(%arg0: i32, %arg1: i32, %arg2: memref<20480x128xf32, #tpu.memory_space<hbm>>, %arg3: memref<2x16x80x128xi32, #tpu.memory_space<hbm>>, %arg4: memref<2x1x10240xf32, #tpu.memory_space<hbm>>, %arg5: memref<2x128xf32, #tpu.memory_space<hbm>>, %arg6: memref<10240x256xf32, #tpu.memory_space<hbm>>, %arg7: memref<80x128xi32, #tpu.memory_space<vmem>>, %arg8: memref<1x128xi32, #tpu.memory_space<vmem>>, %arg9: memref<1x128xi32, #tpu.memory_space<vmem>>, %arg10: memref<1x128xi32, #tpu.memory_space<vmem>>, %arg11: memref<1x128xi32, #tpu.memory_space<vmem>>, %arg12: memref<128x128xf32, #tpu.memory_space<vmem>>, %arg13: memref<128x128xf32, #tpu.memory_space<vmem>>, %arg14: memref<640xf32, #tpu.memory_space<vmem>>, %arg15: memref<128xf32, #tpu.memory_space<vmem>>, %arg16: memref<10240x128xf32, #tpu.memory_space<vmem_shared>>, %arg17: memref<!tpu.dma_semaphore, #tpu.memory_space<semaphore_mem>>, %arg18: memref<!tpu.dma_semaphore, #tpu.memory_space<semaphore_mem>>) attributes {dimension_semantics = [#tpu.dimension_semantics<core_parallel>, #tpu.dimension_semantics<subcore_parallel>], iteration_bounds = array<i64: 2, 16>, scalar_prefetch = 0 : i64, scratch_operands = 12 : i64, tpu.core_type = #tpu.core_type<sc_vector_subcore>, window_params = [{transform_indices = #map}, {transform_indices = #map1}, {transform_indices = #map2}, {transform_indices = #map}, {transform_indices = #map}]} {
    %scan3A = arith.constant 0 : i32
    %scan3A_0 = arith.constant 0 : i32
    %scan3A_1 = arith.constant 5 : i32
    %scan3A_2 = arith.addi %scan3A_0, %scan3A_1 : i32
    %scan3A_3 = arith.constant 1 : i32
    scf.for %scan3A_184 = %scan3A_0 to %scan3A_2 step %scan3A_3  : i32 {
      %mul3A_185 = arith.constant 640 : i32
      %mul3A_186 = arith.muli %arg1, %mul3A_185 : i32
      %mul3A_187 = arith.constant 128 : i32
      %mul3A_188 = arith.muli %scan3A_184, %mul3A_187 : i32
      %add3A = arith.addi %mul3A_186, %mul3A_188 : i32
      %mul3A_189 = arith.constant 10240 : i32
      %mul3A_190 = arith.muli %arg0, %mul3A_189 : i32
      %add3A_191 = arith.addi %mul3A_190, %add3A : i32
      "tpu.region"() ({
        %run_scoped3A_192 = tpu.sem_alloc : memref<!tpu.dma_semaphore, #tpu.memory_space<semaphore_mem>>
        %dma_start3A_193 = arith.constant 0 : i32
        %dma_start3A_194 = tpu.memref_slice %arg2[%add3A_191, %dma_start3A_193] : memref<20480x128xf32, #tpu.memory_space<hbm>> -> memref<128x128xf32, #tpu.memory_space<hbm>>
        %dma_start3A_195 = arith.constant 0 : i32
        %dma_start3A_196 = tpu.memref_slice %arg2[%add3A_191, %dma_start3A_195] : memref<20480x128xf32, #tpu.memory_space<hbm>> -> memref<128x128xf32, #tpu.memory_space<hbm>>
        tpu.enqueue_dma source(%dma_start3A_196 : memref<128x128xf32, #tpu.memory_space<hbm>>) target(%arg12 : memref<128x128xf32, #tpu.memory_space<vmem>>) target_semaphore(%run_scoped3A_192 : memref<!tpu.dma_semaphore, #tpu.memory_space<semaphore_mem>>)
        %dma_wait3A_197 = arith.constant 0 : i32
        %dma_wait3A_198 = tpu.memref_slice %arg2[%add3A_191, %dma_wait3A_197] : memref<20480x128xf32, #tpu.memory_space<hbm>> -> memref<128x128xf32, #tpu.memory_space<hbm>>
        %dma_wait3A_199 = arith.constant 0 : i32
        %dma_wait3A_200 = tpu.memref_slice %arg2[%add3A_191, %dma_wait3A_199] : memref<20480x128xf32, #tpu.memory_space<hbm>> -> memref<128x128xf32, #tpu.memory_space<hbm>>
        tpu.wait_dma2 semaphore(%run_scoped3A_192 : memref<!tpu.dma_semaphore, #tpu.memory_space<semaphore_mem>>) src(%dma_wait3A_200 : memref<128x128xf32, #tpu.memory_space<hbm>>) dst(%arg12 : memref<128x128xf32, #tpu.memory_space<vmem>>)
        tpu.yield
      }) : () -> ()
      "tpu.region"() ({
        %run_scoped3A_192 = tpu.sem_alloc : memref<!tpu.dma_semaphore, #tpu.memory_space<semaphore_mem>>
        %dma_start3A_193 = arith.constant 0 : i32
        %dma_start3A_194 = tpu.memref_slice %arg16[%add3A, %dma_start3A_193] : memref<10240x128xf32, #tpu.memory_space<vmem_shared>> -> memref<128x128xf32, #tpu.memory_space<vmem_shared>>
        %dma_start3A_195 = arith.constant 0 : i32
        %dma_start3A_196 = tpu.memref_slice %arg16[%add3A, %dma_start3A_195] : memref<10240x128xf32, #tpu.memory_space<vmem_shared>> -> memref<128x128xf32, #tpu.memory_space<vmem_shared>>
        tpu.enqueue_dma source(%arg12 : memref<128x128xf32, #tpu.memory_space<vmem>>) target(%dma_start3A_196 : memref<128x128xf32, #tpu.memory_space<vmem_shared>>) target_semaphore(%run_scoped3A_192 : memref<!tpu.dma_semaphore, #tpu.memory_space<semaphore_mem>>)
        %dma_wait3A_197 = arith.constant 0 : i32
        %dma_wait3A_198 = tpu.memref_slice %arg16[%add3A, %dma_wait3A_197] : memref<10240x128xf32, #tpu.memory_space<vmem_shared>> -> memref<128x128xf32, #tpu.memory_space<vmem_shared>>
        %dma_wait3A_199 = arith.constant 0 : i32
        %dma_wait3A_200 = tpu.memref_slice %arg16[%add3A, %dma_wait3A_199] : memref<10240x128xf32, #tpu.memory_space<vmem_shared>> -> memref<128x128xf32, #tpu.memory_space<vmem_shared>>
        tpu.wait_dma2 semaphore(%run_scoped3A_192 : memref<!tpu.dma_semaphore, #tpu.memory_space<semaphore_mem>>) src(%arg12 : memref<128x128xf32, #tpu.memory_space<vmem>>) dst(%dma_wait3A_200 : memref<128x128xf32, #tpu.memory_space<vmem_shared>>)
        tpu.yield
      }) : () -> ()
    }
    %scan3A_4 = arith.constant 5 : i32
    "tpu.region"() ({
      %run_scoped3A_184 = tpu.sem_alloc : memref<!tpu.dma_semaphore, #tpu.memory_space<semaphore_mem>>
      %dma_start3A_185 = arith.constant 0 : i32
      %dma_start3A_186 = arith.constant 0 : i32
      %dma_start3A_187 = tpu.memref_slice %arg3[%arg0, %arg1, %dma_start3A_185, %dma_start3A_186] : memref<2x16x80x128xi32, #tpu.memory_space<hbm>> -> memref<1x1x80x128xi32, #tpu.memory_space<hbm>>
      %dma_start3A_188 = tpu.memref_squeeze %dma_start3A_187 : memref<1x1x80x128xi32, #tpu.memory_space<hbm>> -> memref<80x128xi32, #tpu.memory_space<hbm>>
      %dma_start3A_189 = arith.constant 0 : i32
      %dma_start3A_190 = arith.constant 0 : i32
      %dma_start3A_191 = tpu.memref_slice %arg3[%arg0, %arg1, %dma_start3A_189, %dma_start3A_190] : memref<2x16x80x128xi32, #tpu.memory_space<hbm>> -> memref<1x1x80x128xi32, #tpu.memory_space<hbm>>
      %dma_start3A_192 = tpu.memref_squeeze %dma_start3A_191 : memref<1x1x80x128xi32, #tpu.memory_space<hbm>> -> memref<80x128xi32, #tpu.memory_space<hbm>>
      tpu.enqueue_dma source(%dma_start3A_192 : memref<80x128xi32, #tpu.memory_space<hbm>>) target(%arg7 : memref<80x128xi32, #tpu.memory_space<vmem>>) target_semaphore(%run_scoped3A_184 : memref<!tpu.dma_semaphore, #tpu.memory_space<semaphore_mem>>)
      %dma_wait3A_193 = arith.constant 0 : i32
      %dma_wait3A_194 = arith.constant 0 : i32
      %dma_wait3A_195 = tpu.memref_slice %arg3[%arg0, %arg1, %dma_wait3A_193, %dma_wait3A_194] : memref<2x16x80x128xi32, #tpu.memory_space<hbm>> -> memref<1x1x80x128xi32, #tpu.memory_space<hbm>>
      %dma_wait3A_196 = tpu.memref_squeeze %dma_wait3A_195 : memref<1x1x80x128xi32, #tpu.memory_space<hbm>> -> memref<80x128xi32, #tpu.memory_space<hbm>>
      %dma_wait3A_197 = arith.constant 0 : i32
      %dma_wait3A_198 = arith.constant 0 : i32
      %dma_wait3A_199 = tpu.memref_slice %arg3[%arg0, %arg1, %dma_wait3A_197, %dma_wait3A_198] : memref<2x16x80x128xi32, #tpu.memory_space<hbm>> -> memref<1x1x80x128xi32, #tpu.memory_space<hbm>>
      %dma_wait3A_200 = tpu.memref_squeeze %dma_wait3A_199 : memref<1x1x80x128xi32, #tpu.memory_space<hbm>> -> memref<80x128xi32, #tpu.memory_space<hbm>>
      tpu.wait_dma2 semaphore(%run_scoped3A_184 : memref<!tpu.dma_semaphore, #tpu.memory_space<semaphore_mem>>) src(%dma_wait3A_200 : memref<80x128xi32, #tpu.memory_space<hbm>>) dst(%arg7 : memref<80x128xi32, #tpu.memory_space<vmem>>)
      tpu.yield
    }) : () -> ()
    %mul3A = arith.constant 640 : i32
    %mul3A_5 = arith.muli %arg1, %mul3A : i32
    %run_scoped3A = arith.constant 0 : i32
    "tpu.region"() ({
      %run_scoped3A_184 = tpu.sem_alloc : memref<!tpu.dma_semaphore, #tpu.memory_space<semaphore_mem>>
      %dma_start3A_185 = tpu.memref_slice %arg4[%arg0, %run_scoped3A, %mul3A_5] : memref<2x1x10240xf32, #tpu.memory_space<hbm>> -> memref<1x1x640xf32, #tpu.memory_space<hbm>>
      %dma_start3A_186 = tpu.memref_squeeze %dma_start3A_185 : memref<1x1x640xf32, #tpu.memory_space<hbm>> -> memref<640xf32, #tpu.memory_space<hbm>>
      %dma_start3A_187 = tpu.memref_slice %arg4[%arg0, %run_scoped3A, %mul3A_5] : memref<2x1x10240xf32, #tpu.memory_space<hbm>> -> memref<1x1x640xf32, #tpu.memory_space<hbm>>
      %dma_start3A_188 = tpu.memref_squeeze %dma_start3A_187 : memref<1x1x640xf32, #tpu.memory_space<hbm>> -> memref<640xf32, #tpu.memory_space<hbm>>
      tpu.enqueue_dma source(%dma_start3A_188 : memref<640xf32, #tpu.memory_space<hbm>>) target(%arg14 : memref<640xf32, #tpu.memory_space<vmem>>) target_semaphore(%run_scoped3A_184 : memref<!tpu.dma_semaphore, #tpu.memory_space<semaphore_mem>>)
      %dma_wait3A_189 = tpu.memref_slice %arg4[%arg0, %run_scoped3A, %mul3A_5] : memref<2x1x10240xf32, #tpu.memory_space<hbm>> -> memref<1x1x640xf32, #tpu.memory_space<hbm>>
      %dma_wait3A_190 = tpu.memref_squeeze %dma_wait3A_189 : memref<1x1x640xf32, #tpu.memory_space<hbm>> -> memref<640xf32, #tpu.memory_space<hbm>>
      %dma_wait3A_191 = tpu.memref_slice %arg4[%arg0, %run_scoped3A, %mul3A_5] : memref<2x1x10240xf32, #tpu.memory_space<hbm>> -> memref<1x1x640xf32, #tpu.memory_space<hbm>>
      %dma_wait3A_192 = tpu.memref_squeeze %dma_wait3A_191 : memref<1x1x640xf32, #tpu.memory_space<hbm>> -> memref<640xf32, #tpu.memory_space<hbm>>
      tpu.wait_dma2 semaphore(%run_scoped3A_184 : memref<!tpu.dma_semaphore, #tpu.memory_space<semaphore_mem>>) src(%dma_wait3A_192 : memref<640xf32, #tpu.memory_space<hbm>>) dst(%arg14 : memref<640xf32, #tpu.memory_space<vmem>>)
      tpu.yield
    }) : () -> ()
    "tpu.region"() ({
      %run_scoped3A_184 = tpu.sem_alloc : memref<!tpu.dma_semaphore, #tpu.memory_space<semaphore_mem>>
      %dma_start3A_185 = arith.constant 0 : i32
      %dma_start3A_186 = tpu.memref_slice %arg5[%arg0, %dma_start3A_185] : memref<2x128xf32, #tpu.memory_space<hbm>> -> memref<1x128xf32, #tpu.memory_space<hbm>>
      %dma_start3A_187 = tpu.memref_squeeze %dma_start3A_186 : memref<1x128xf32, #tpu.memory_space<hbm>> -> memref<128xf32, #tpu.memory_space<hbm>>
      %dma_start3A_188 = arith.constant 0 : i32
      %dma_start3A_189 = tpu.memref_slice %arg5[%arg0, %dma_start3A_188] : memref<2x128xf32, #tpu.memory_space<hbm>> -> memref<1x128xf32, #tpu.memory_space<hbm>>
      %dma_start3A_190 = tpu.memref_squeeze %dma_start3A_189 : memref<1x128xf32, #tpu.memory_space<hbm>> -> memref<128xf32, #tpu.memory_space<hbm>>
      tpu.enqueue_dma source(%dma_start3A_190 : memref<128xf32, #tpu.memory_space<hbm>>) target(%arg15 : memref<128xf32, #tpu.memory_space<vmem>>) target_semaphore(%run_scoped3A_184 : memref<!tpu.dma_semaphore, #tpu.memory_space<semaphore_mem>>)
      %dma_wait3A_191 = arith.constant 0 : i32
      %dma_wait3A_192 = tpu.memref_slice %arg5[%arg0, %dma_wait3A_191] : memref<2x128xf32, #tpu.memory_space<hbm>> -> memref<1x128xf32, #tpu.memory_space<hbm>>
      %dma_wait3A_193 = tpu.memref_squeeze %dma_wait3A_192 : memref<1x128xf32, #tpu.memory_space<hbm>> -> memref<128xf32, #tpu.memory_space<hbm>>
      %dma_wait3A_194 = arith.constant 0 : i32
      %dma_wait3A_195 = tpu.memref_slice %arg5[%arg0, %dma_wait3A_194] : memref<2x128xf32, #tpu.memory_space<hbm>> -> memref<1x128xf32, #tpu.memory_space<hbm>>
      %dma_wait3A_196 = tpu.memref_squeeze %dma_wait3A_195 : memref<1x128xf32, #tpu.memory_space<hbm>> -> memref<128xf32, #tpu.memory_space<hbm>>
      tpu.wait_dma2 semaphore(%run_scoped3A_184 : memref<!tpu.dma_semaphore, #tpu.memory_space<semaphore_mem>>) src(%dma_wait3A_196 : memref<128xf32, #tpu.memory_space<hbm>>) dst(%arg15 : memref<128xf32, #tpu.memory_space<vmem>>)
      tpu.yield
    }) : () -> ()
    %barrier3A = arith.constant 0 : index
    tpu.barrier barrier_id(%barrier3A)
    %get3A = arith.constant 0 : i32
    %get3A_6 = arith.index_cast %get3A : i32 to index
    %get3A_7 = arith.constant 0 : index
    %get3A_8 = tpu.vector_load %arg7[%get3A_6, %get3A_7] {strides = array<i32>} : memref<80x128xi32, #tpu.memory_space<vmem>>, vector<16xi32>,
    %and3A = arith.constant 65535 : i32
    %and3A_9 = vector.broadcast %and3A : i32 to vector<16xi32>
    %and3A_10 = arith.andi %get3A_8, %and3A_9 : vector<16xi32>
    %swap3A = arith.constant 0 : i32
    %swap3A_11 = arith.index_cast %swap3A : i32 to index
    %swap3A_12 = arith.constant 0 : index
    %swap3A_13 = tpu.vector_load %arg8[%swap3A_11, %swap3A_12] {strides = array<i32>} : memref<1x128xi32, #tpu.memory_space<vmem>>, vector<16xi32>,
    tpu.vector_store %arg8[%swap3A_11, %swap3A_12], %and3A_10 {strides = array<i32>} : memref<1x128xi32, #tpu.memory_space<vmem>>, vector<16xi32>,
    %shift_right_logical3A = arith.constant 16 : i32
    %shift_right_logical3A_14 = vector.broadcast %shift_right_logical3A : i32 to vector<16xi32>
    %shift_right_logical3A_15 = arith.shrui %get3A_8, %shift_right_logical3A_14 : vector<16xi32>
    %swap3A_16 = arith.constant 0 : i32
    %swap3A_17 = arith.index_cast %swap3A_16 : i32 to index
    %swap3A_18 = arith.constant 0 : index
    %swap3A_19 = tpu.vector_load %arg9[%swap3A_17, %swap3A_18] {strides = array<i32>} : memref<1x128xi32, #tpu.memory_space<vmem>>, vector<16xi32>,
    tpu.vector_store %arg9[%swap3A_17, %swap3A_18], %shift_right_logical3A_15 {strides = array<i32>} : memref<1x128xi32, #tpu.memory_space<vmem>>, vector<16xi32>,
    %get3A_20 = arith.constant 0 : i32
    %get3A_21 = arith.index_cast %get3A_20 : i32 to index
    %get3A_22 = arith.constant 16 : index
    %get3A_23 = tpu.vector_load %arg7[%get3A_21, %get3A_22] {strides = array<i32>} : memref<80x128xi32, #tpu.memory_space<vmem>>, vector<16xi32>,
    %and3A_24 = arith.constant 65535 : i32
    %and3A_25 = vector.broadcast %and3A_24 : i32 to vector<16xi32>
    %and3A_26 = arith.andi %get3A_23, %and3A_25 : vector<16xi32>
    %swap3A_27 = arith.constant 0 : i32
    %swap3A_28 = arith.index_cast %swap3A_27 : i32 to index
    %swap3A_29 = arith.constant 16 : index
    %swap3A_30 = tpu.vector_load %arg8[%swap3A_28, %swap3A_29] {strides = array<i32>} : memref<1x128xi32, #tpu.memory_space<vmem>>, vector<16xi32>,
    tpu.vector_store %arg8[%swap3A_28, %swap3A_29], %and3A_26 {strides = array<i32>} : memref<1x128xi32, #tpu.memory_space<vmem>>, vector<16xi32>,
    %shift_right_logical3A_31 = arith.constant 16 : i32
    %shift_right_logical3A_32 = vector.broadcast %shift_right_logical3A_31 : i32 to vector<16xi32>
    %shift_right_logical3A_33 = arith.shrui %get3A_23, %shift_right_logical3A_32 : vector<16xi32>
    %swap3A_34 = arith.constant 0 : i32
    %swap3A_35 = arith.index_cast %swap3A_34 : i32 to index
    %swap3A_36 = arith.constant 16 : index
    %swap3A_37 = tpu.vector_load %arg9[%swap3A_35, %swap3A_36] {strides = array<i32>} : memref<1x128xi32, #tpu.memory_space<vmem>>, vector<16xi32>,
    tpu.vector_store %arg9[%swap3A_35, %swap3A_36], %shift_right_logical3A_33 {strides = array<i32>} : memref<1x128xi32, #tpu.memory_space<vmem>>, vector<16xi32>,
    %get3A_38 = arith.constant 0 : i32
    %get3A_39 = arith.index_cast %get3A_38 : i32 to index
    %get3A_40 = arith.constant 32 : index
    %get3A_41 = tpu.vector_load %arg7[%get3A_39, %get3A_40] {strides = array<i32>} : memref<80x128xi32, #tpu.memory_space<vmem>>, vector<16xi32>,
    %and3A_42 = arith.constant 65535 : i32
    %and3A_43 = vector.broadcast %and3A_42 : i32 to vector<16xi32>
    %and3A_44 = arith.andi %get3A_41, %and3A_43 : vector<16xi32>
    %swap3A_45 = arith.constant 0 : i32
    %swap3A_46 = arith.index_cast %swap3A_45 : i32 to index
    %swap3A_47 = arith.constant 32 : index
    %swap3A_48 = tpu.vector_load %arg8[%swap3A_46, %swap3A_47] {strides = array<i32>} : memref<1x128xi32, #tpu.memory_space<vmem>>, vector<16xi32>,
    tpu.vector_store %arg8[%swap3A_46, %swap3A_47], %and3A_44 {strides = array<i32>} : memref<1x128xi32, #tpu.memory_space<vmem>>, vector<16xi32>,
    %shift_right_logical3A_49 = arith.constant 16 : i32
    %shift_right_logical3A_50 = vector.broadcast %shift_right_logical3A_49 : i32 to vector<16xi32>
    %shift_right_logical3A_51 = arith.shrui %get3A_41, %shift_right_logical3A_50 : vector<16xi32>
    %swap3A_52 = arith.constant 0 : i32
    %swap3A_53 = arith.index_cast %swap3A_52 : i32 to index
    %swap3A_54 = arith.constant 32 : index
    %swap3A_55 = tpu.vector_load %arg9[%swap3A_53, %swap3A_54] {strides = array<i32>} : memref<1x128xi32, #tpu.memory_space<vmem>>, vector<16xi32>,
    tpu.vector_store %arg9[%swap3A_53, %swap3A_54], %shift_right_logical3A_51 {strides = array<i32>} : memref<1x128xi32, #tpu.memory_space<vmem>>, vector<16xi32>,
    %get3A_56 = arith.constant 0 : i32
    %get3A_57 = arith.index_cast %get3A_56 : i32 to index
    %get3A_58 = arith.constant 48 : index
    %get3A_59 = tpu.vector_load %arg7[%get3A_57, %get3A_58] {strides = array<i32>} : memref<80x128xi32, #tpu.memory_space<vmem>>, vector<16xi32>,
    %and3A_60 = arith.constant 65535 : i32
    %and3A_61 = vector.broadcast %and3A_60 : i32 to vector<16xi32>
    %and3A_62 = arith.andi %get3A_59, %and3A_61 : vector<16xi32>
    %swap3A_63 = arith.constant 0 : i32
    %swap3A_64 = arith.index_cast %swap3A_63 : i32 to index
    %swap3A_65 = arith.constant 48 : index
    %swap3A_66 = tpu.vector_load %arg8[%swap3A_64, %swap3A_65] {strides = array<i32>} : memref<1x128xi32, #tpu.memory_space<vmem>>, vector<16xi32>,
    tpu.vector_store %arg8[%swap3A_64, %swap3A_65], %and3A_62 {strides = array<i32>} : memref<1x128xi32, #tpu.memory_space<vmem>>, vector<16xi32>,
    %shift_right_logical3A_67 = arith.constant 16 : i32
    %shift_right_logical3A_68 = vector.broadcast %shift_right_logical3A_67 : i32 to vector<16xi32>
    %shift_right_logical3A_69 = arith.shrui %get3A_59, %shift_right_logical3A_68 : vector<16xi32>
    %swap3A_70 = arith.constant 0 : i32
    %swap3A_71 = arith.index_cast %swap3A_70 : i32 to index
    %swap3A_72 = arith.constant 48 : index
    %swap3A_73 = tpu.vector_load %arg9[%swap3A_71, %swap3A_72] {strides = array<i32>} : memref<1x128xi32, #tpu.memory_space<vmem>>, vector<16xi32>,
    tpu.vector_store %arg9[%swap3A_71, %swap3A_72], %shift_right_logical3A_69 {strides = array<i32>} : memref<1x128xi32, #tpu.memory_space<vmem>>, vector<16xi32>,
    %get3A_74 = arith.constant 0 : i32
    %get3A_75 = arith.index_cast %get3A_74 : i32 to index
    %get3A_76 = arith.constant 64 : index
    %get3A_77 = tpu.vector_load %arg7[%get3A_75, %get3A_76] {strides = array<i32>} : memref<80x128xi32, #tpu.memory_space<vmem>>, vector<16xi32>,
    %and3A_78 = arith.constant 65535 : i32
    %and3A_79 = vector.broadcast %and3A_78 : i32 to vector<16xi32>
    %and3A_80 = arith.andi %get3A_77, %and3A_79 : vector<16xi32>
    %swap3A_81 = arith.constant 0 : i32
    %swap3A_82 = arith.index_cast %swap3A_81 : i32 to index
    %swap3A_83 = arith.constant 64 : index
    %swap3A_84 = tpu.vector_load %arg8[%swap3A_82, %swap3A_83] {strides = array<i32>} : memref<1x128xi32, #tpu.memory_space<vmem>>, vector<16xi32>,
    tpu.vector_store %arg8[%swap3A_82, %swap3A_83], %and3A_80 {strides = array<i32>} : memref<1x128xi32, #tpu.memory_space<vmem>>, vector<16xi32>,
    %shift_right_logical3A_85 = arith.constant 16 : i32
    %shift_right_logical3A_86 = vector.broadcast %shift_right_logical3A_85 : i32 to vector<16xi32>
    %shift_right_logical3A_87 = arith.shrui %get3A_77, %shift_right_logical3A_86 : vector<16xi32>
    %swap3A_88 = arith.constant 0 : i32
    %swap3A_89 = arith.index_cast %swap3A_88 : i32 to index
    %swap3A_90 = arith.constant 64 : index
    %swap3A_91 = tpu.vector_load %arg9[%swap3A_89, %swap3A_90] {strides = array<i32>} : memref<1x128xi32, #tpu.memory_space<vmem>>, vector<16xi32>,
    tpu.vector_store %arg9[%swap3A_89, %swap3A_90], %shift_right_logical3A_87 {strides = array<i32>} : memref<1x128xi32, #tpu.memory_space<vmem>>, vector<16xi32>,
    %get3A_92 = arith.constant 0 : i32
    %get3A_93 = arith.index_cast %get3A_92 : i32 to index
    %get3A_94 = arith.constant 80 : index
    %get3A_95 = tpu.vector_load %arg7[%get3A_93, %get3A_94] {strides = array<i32>} : memref<80x128xi32, #tpu.memory_space<vmem>>, vector<16xi32>,
    %and3A_96 = arith.constant 65535 : i32
    %and3A_97 = vector.broadcast %and3A_96 : i32 to vector<16xi32>
    %and3A_98 = arith.andi %get3A_95, %and3A_97 : vector<16xi32>
    %swap3A_99 = arith.constant 0 : i32
    %swap3A_100 = arith.index_cast %swap3A_99 : i32 to index
    %swap3A_101 = arith.constant 80 : index
    %swap3A_102 = tpu.vector_load %arg8[%swap3A_100, %swap3A_101] {strides = array<i32>} : memref<1x128xi32, #tpu.memory_space<vmem>>, vector<16xi32>,
    tpu.vector_store %arg8[%swap3A_100, %swap3A_101], %and3A_98 {strides = array<i32>} : memref<1x128xi32, #tpu.memory_space<vmem>>, vector<16xi32>,
    %shift_right_logical3A_103 = arith.constant 16 : i32
    %shift_right_logical3A_104 = vector.broadcast %shift_right_logical3A_103 : i32 to vector<16xi32>
    %shift_right_logical3A_105 = arith.shrui %get3A_95, %shift_right_logical3A_104 : vector<16xi32>
    %swap3A_106 = arith.constant 0 : i32
    %swap3A_107 = arith.index_cast %swap3A_106 : i32 to index
    %swap3A_108 = arith.constant 80 : index
    %swap3A_109 = tpu.vector_load %arg9[%swap3A_107, %swap3A_108] {strides = array<i32>} : memref<1x128xi32, #tpu.memory_space<vmem>>, vector<16xi32>,
    tpu.vector_store %arg9[%swap3A_107, %swap3A_108], %shift_right_logical3A_105 {strides = array<i32>} : memref<1x128xi32, #tpu.memory_space<vmem>>, vector<16xi32>,
    %get3A_110 = arith.constant 0 : i32
    %get3A_111 = arith.index_cast %get3A_110 : i32 to index
    %get3A_112 = arith.constant 96 : index
    %get3A_113 = tpu.vector_load %arg7[%get3A_111, %get3A_112] {strides = array<i32>} : memref<80x128xi32, #tpu.memory_space<vmem>>, vector<16xi32>,
    %and3A_114 = arith.constant 65535 : i32
    %and3A_115 = vector.broadcast %and3A_114 : i32 to vector<16xi32>
    %and3A_116 = arith.andi %get3A_113, %and3A_115 : vector<16xi32>
    %swap3A_117 = arith.constant 0 : i32
    %swap3A_118 = arith.index_cast %swap3A_117 : i32 to index
    %swap3A_119 = arith.constant 96 : index
    %swap3A_120 = tpu.vector_load %arg8[%swap3A_118, %swap3A_119] {strides = array<i32>} : memref<1x128xi32, #tpu.memory_space<vmem>>, vector<16xi32>,
    tpu.vector_store %arg8[%swap3A_118, %swap3A_119], %and3A_116 {strides = array<i32>} : memref<1x128xi32, #tpu.memory_space<vmem>>, vector<16xi32>,
    %shift_right_logical3A_121 = arith.constant 16 : i32
    %shift_right_logical3A_122 = vector.broadcast %shift_right_logical3A_121 : i32 to vector<16xi32>
    %shift_right_logical3A_123 = arith.shrui %get3A_113, %shift_right_logical3A_122 : vector<16xi32>
    %swap3A_124 = arith.constant 0 : i32
    %swap3A_125 = arith.index_cast %swap3A_124 : i32 to index
    %swap3A_126 = arith.constant 96 : index
    %swap3A_127 = tpu.vector_load %arg9[%swap3A_125, %swap3A_126] {strides = array<i32>} : memref<1x128xi32, #tpu.memory_space<vmem>>, vector<16xi32>,
    tpu.vector_store %arg9[%swap3A_125, %swap3A_126], %shift_right_logical3A_123 {strides = array<i32>} : memref<1x128xi32, #tpu.memory_space<vmem>>, vector<16xi32>,
    %get3A_128 = arith.constant 0 : i32
    %get3A_129 = arith.index_cast %get3A_128 : i32 to index
    %get3A_130 = arith.constant 112 : index
    %get3A_131 = tpu.vector_load %arg7[%get3A_129, %get3A_130] {strides = array<i32>} : memref<80x128xi32, #tpu.memory_space<vmem>>, vector<16xi32>,
    %and3A_132 = arith.constant 65535 : i32
    %and3A_133 = vector.broadcast %and3A_132 : i32 to vector<16xi32>
    %and3A_134 = arith.andi %get3A_131, %and3A_133 : vector<16xi32>
    %swap3A_135 = arith.constant 0 : i32
    %swap3A_136 = arith.index_cast %swap3A_135 : i32 to index
    %swap3A_137 = arith.constant 112 : index
    %swap3A_138 = tpu.vector_load %arg8[%swap3A_136, %swap3A_137] {strides = array<i32>} : memref<1x128xi32, #tpu.memory_space<vmem>>, vector<16xi32>,
    tpu.vector_store %arg8[%swap3A_136, %swap3A_137], %and3A_134 {strides = array<i32>} : memref<1x128xi32, #tpu.memory_space<vmem>>, vector<16xi32>,
    %shift_right_logical3A_139 = arith.constant 16 : i32
    %shift_right_logical3A_140 = vector.broadcast %shift_right_logical3A_139 : i32 to vector<16xi32>
    %shift_right_logical3A_141 = arith.shrui %get3A_131, %shift_right_logical3A_140 : vector<16xi32>
    %swap3A_142 = arith.constant 0 : i32
    %swap3A_143 = arith.index_cast %swap3A_142 : i32 to index
    %swap3A_144 = arith.constant 112 : index
    %swap3A_145 = tpu.vector_load %arg9[%swap3A_143, %swap3A_144] {strides = array<i32>} : memref<1x128xi32, #tpu.memory_space<vmem>>, vector<16xi32>,
    tpu.vector_store %arg9[%swap3A_143, %swap3A_144], %shift_right_logical3A_141 {strides = array<i32>} : memref<1x128xi32, #tpu.memory_space<vmem>>, vector<16xi32>,
    %dma_start3A = arith.constant 0 : i32
    %dma_start3A_146 = arith.constant 0 : i32
    %dma_start3A_147 = arith.constant 0 : i32
    %dma_start3A_148 = tpu.memref_slice %arg12[%dma_start3A_146, %dma_start3A_147] : memref<128x128xf32, #tpu.memory_space<vmem>> -> memref<64x128xf32, #tpu.memory_space<vmem>>
    %dma_start3A_149 = arith.constant 0 : i32
    %dma_start3A_150 = tpu.memref_slice %arg8[%dma_start3A, %dma_start3A_149] : memref<1x128xi32, #tpu.memory_space<vmem>> -> memref<1x64xi32, #tpu.memory_space<vmem>>
    %dma_start3A_151 = tpu.memref_squeeze %dma_start3A_150 : memref<1x64xi32, #tpu.memory_space<vmem>> -> memref<64xi32, #tpu.memory_space<vmem>>
    %dma_start3A_152 = arith.constant 0 : i32
    %dma_start3A_153 = arith.constant 0 : i32
    %dma_start3A_154 = tpu.memref_slice %arg2[%dma_start3A_152, %dma_start3A_153] : memref<20480x128xf32, #tpu.memory_space<hbm>> -> memref<20480x128xf32, #tpu.memory_space<hbm>>
    tpu.enqueue_indirect_dma source(%dma_start3A_154 : memref<20480x128xf32, #tpu.memory_space<hbm>>) target(%dma_start3A_148 : memref<64x128xf32, #tpu.memory_space<vmem>>) offsets(%dma_start3A_151 : memref<64xi32, #tpu.memory_space<vmem>>) semaphore(%arg17 : memref<!tpu.dma_semaphore, #tpu.memory_space<semaphore_mem>>)
    %dma_start3A_155 = arith.constant 0 : i32
    %dma_start3A_156 = arith.constant 64 : i32
    %dma_start3A_157 = arith.constant 0 : i32
    %dma_start3A_158 = tpu.memref_slice %arg12[%dma_start3A_156, %dma_start3A_157] : memref<128x128xf32, #tpu.memory_space<vmem>> -> memref<64x128xf32, #tpu.memory_space<vmem>>
    %dma_start3A_159 = arith.constant 64 : i32
    %dma_start3A_160 = tpu.memref_slice %arg8[%dma_start3A_155, %dma_start3A_159] : memref<1x128xi32, #tpu.memory_space<vmem>> -> memref<1x64xi32, #tpu.memory_space<vmem>>
    %dma_start3A_161 = tpu.memref_squeeze %dma_start3A_160 : memref<1x64xi32, #tpu.memory_space<vmem>> -> memref<64xi32, #tpu.memory_space<vmem>>
    %dma_start3A_162 = arith.constant 0 : i32
    %dma_start3A_163 = arith.constant 0 : i32
    %dma_start3A_164 = tpu.memref_slice %arg2[%dma_start3A_162, %dma_start3A_163] : memref<20480x128xf32, #tpu.memory_space<hbm>> -> memref<20480x128xf32, #tpu.memory_space<hbm>>
    tpu.enqueue_indirect_dma source(%dma_start3A_164 : memref<20480x128xf32, #tpu.memory_space<hbm>>) target(%dma_start3A_158 : memref<64x128xf32, #tpu.memory_space<vmem>>) offsets(%dma_start3A_161 : memref<64xi32, #tpu.memory_space<vmem>>) semaphore(%arg17 : memref<!tpu.dma_semaphore, #tpu.memory_space<semaphore_mem>>)
    %scan3A_165 = arith.constant 0 : i32
    %scan3A_166 = arith.constant 0 : i32
    %scan3A_167 = arith.constant 40 : i32
    %scan3A_168 = arith.addi %scan3A_166, %scan3A_167 : i32
    %scan3A_169 = arith.constant 1 : i32
    scf.for %scan3A_184 = %scan3A_166 to %scan3A_168 step %scan3A_169  : i32 {
      %mul3A_185 = arith.constant 2 : i32
      %mul3A_186 = arith.muli %mul3A_185, %scan3A_184 : i32
      %add3A = arith.constant 1 : i32
      %add3A_187 = arith.addi %mul3A_186, %add3A : i32
      %get3A_188 = arith.index_cast %add3A_187 : i32 to index
      %get3A_189 = arith.constant 0 : index
      %get3A_190 = tpu.vector_load %arg7[%get3A_188, %get3A_189] {strides = array<i32>} : memref<80x128xi32, #tpu.memory_space<vmem>>, vector<16xi32>,
      %and3A_191 = arith.constant 65535 : i32
      %and3A_192 = vector.broadcast %and3A_191 : i32 to vector<16xi32>
      %and3A_193 = arith.andi %get3A_190, %and3A_192 : vector<16xi32>
      %swap3A_194 = arith.constant 0 : i32
      %swap3A_195 = arith.index_cast %swap3A_194 : i32 to index
      %swap3A_196 = arith.constant 0 : index
      %swap3A_197 = tpu.vector_load %arg10[%swap3A_195, %swap3A_196] {strides = array<i32>} : memref<1x128xi32, #tpu.memory_space<vmem>>, vector<16xi32>,
      tpu.vector_store %arg10[%swap3A_195, %swap3A_196], %and3A_193 {strides = array<i32>} : memref<1x128xi32, #tpu.memory_space<vmem>>, vector<16xi32>,
      %shift_right_logical3A_198 = arith.constant 16 : i32
      %shift_right_logical3A_199 = vector.broadcast %shift_right_logical3A_198 : i32 to vector<16xi32>
      %shift_right_logical3A_200 = arith.shrui %get3A_190, %shift_right_logical3A_199 : vector<16xi32>
      %swap3A_201 = arith.constant 0 : i32
      %swap3A_202 = arith.index_cast %swap3A_201 : i32 to index
      %swap3A_203 = arith.constant 0 : index
      %swap3A_204 = tpu.vector_load %arg11[%swap3A_202, %swap3A_203] {strides = array<i32>} : memref<1x128xi32, #tpu.memory_space<vmem>>, vector<16xi32>,
      tpu.vector_store %arg11[%swap3A_202, %swap3A_203], %shift_right_logical3A_200 {strides = array<i32>} : memref<1x128xi32, #tpu.memory_space<vmem>>, vector<16xi32>,
      %get3A_205 = arith.index_cast %add3A_187 : i32 to index
      %get3A_206 = arith.constant 16 : index
      %get3A_207 = tpu.vector_load %arg7[%get3A_205, %get3A_206] {strides = array<i32>} : memref<80x128xi32, #tpu.memory_space<vmem>>, vector<16xi32>,
      %and3A_208 = arith.constant 65535 : i32
      %and3A_209 = vector.broadcast %and3A_208 : i32 to vector<16xi32>
      %and3A_210 = arith.andi %get3A_207, %and3A_209 : vector<16xi32>
      %swap3A_211 = arith.constant 0 : i32
      %swap3A_212 = arith.index_cast %swap3A_211 : i32 to index
      %swap3A_213 = arith.constant 16 : index
      %swap3A_214 = tpu.vector_load %arg10[%swap3A_212, %swap3A_213] {strides = array<i32>} : memref<1x128xi32, #tpu.memory_space<vmem>>, vector<16xi32>,
      tpu.vector_store %arg10[%swap3A_212, %swap3A_213], %and3A_210 {strides = array<i32>} : memref<1x128xi32, #tpu.memory_space<vmem>>, vector<16xi32>,
      %shift_right_logical3A_215 = arith.constant 16 : i32
      %shift_right_logical3A_216 = vector.broadcast %shift_right_logical3A_215 : i32 to vector<16xi32>
      %shift_right_logical3A_217 = arith.shrui %get3A_207, %shift_right_logical3A_216 : vector<16xi32>
      %swap3A_218 = arith.constant 0 : i32
      %swap3A_219 = arith.index_cast %swap3A_218 : i32 to index
      %swap3A_220 = arith.constant 16 : index
      %swap3A_221 = tpu.vector_load %arg11[%swap3A_219, %swap3A_220] {strides = array<i32>} : memref<1x128xi32, #tpu.memory_space<vmem>>, vector<16xi32>,
      tpu.vector_store %arg11[%swap3A_219, %swap3A_220], %shift_right_logical3A_217 {strides = array<i32>} : memref<1x128xi32, #tpu.memory_space<vmem>>, vector<16xi32>,
      %get3A_222 = arith.index_cast %add3A_187 : i32 to index
      %get3A_223 = arith.constant 32 : index
      %get3A_224 = tpu.vector_load %arg7[%get3A_222, %get3A_223] {strides = array<i32>} : memref<80x128xi32, #tpu.memory_space<vmem>>, vector<16xi32>,
      %and3A_225 = arith.constant 65535 : i32
      %and3A_226 = vector.broadcast %and3A_225 : i32 to vector<16xi32>
      %and3A_227 = arith.andi %get3A_224, %and3A_226 : vector<16xi32>
      %swap3A_228 = arith.constant 0 : i32
      %swap3A_229 = arith.index_cast %swap3A_228 : i32 to index
      %swap3A_230 = arith.constant 32 : index
      %swap3A_231 = tpu.vector_load %arg10[%swap3A_229, %swap3A_230] {strides = array<i32>} : memref<1x128xi32, #tpu.memory_space<vmem>>, vector<16xi32>,
      tpu.vector_store %arg10[%swap3A_229, %swap3A_230], %and3A_227 {strides = array<i32>} : memref<1x128xi32, #tpu.memory_space<vmem>>, vector<16xi32>,
      %shift_right_logical3A_232 = arith.constant 16 : i32
      %shift_right_logical3A_233 = vector.broadcast %shift_right_logical3A_232 : i32 to vector<16xi32>
      %shift_right_logical3A_234 = arith.shrui %get3A_224, %shift_right_logical3A_233 : vector<16xi32>
      %swap3A_235 = arith.constant 0 : i32
      %swap3A_236 = arith.index_cast %swap3A_235 : i32 to index
      %swap3A_237 = arith.constant 32 : index
      %swap3A_238 = tpu.vector_load %arg11[%swap3A_236, %swap3A_237] {strides = array<i32>} : memref<1x128xi32, #tpu.memory_space<vmem>>, vector<16xi32>,
      tpu.vector_store %arg11[%swap3A_236, %swap3A_237], %shift_right_logical3A_234 {strides = array<i32>} : memref<1x128xi32, #tpu.memory_space<vmem>>, vector<16xi32>,
      %get3A_239 = arith.index_cast %add3A_187 : i32 to index
      %get3A_240 = arith.constant 48 : index
      %get3A_241 = tpu.vector_load %arg7[%get3A_239, %get3A_240] {strides = array<i32>} : memref<80x128xi32, #tpu.memory_space<vmem>>, vector<16xi32>,
      %and3A_242 = arith.constant 65535 : i32
      %and3A_243 = vector.broadcast %and3A_242 : i32 to vector<16xi32>
      %and3A_244 = arith.andi %get3A_241, %and3A_243 : vector<16xi32>
      %swap3A_245 = arith.constant 0 : i32
      %swap3A_246 = arith.index_cast %swap3A_245 : i32 to index
      %swap3A_247 = arith.constant 48 : index
      %swap3A_248 = tpu.vector_load %arg10[%swap3A_246, %swap3A_247] {strides = array<i32>} : memref<1x128xi32, #tpu.memory_space<vmem>>, vector<16xi32>,
      tpu.vector_store %arg10[%swap3A_246, %swap3A_247], %and3A_244 {strides = array<i32>} : memref<1x128xi32, #tpu.memory_space<vmem>>, vector<16xi32>,
      %shift_right_logical3A_249 = arith.constant 16 : i32
      %shift_right_logical3A_250 = vector.broadcast %shift_right_logical3A_249 : i32 to vector<16xi32>
      %shift_right_logical3A_251 = arith.shrui %get3A_241, %shift_right_logical3A_250 : vector<16xi32>
      %swap3A_252 = arith.constant 0 : i32
      %swap3A_253 = arith.index_cast %swap3A_252 : i32 to index
      %swap3A_254 = arith.constant 48 : index
      %swap3A_255 = tpu.vector_load %arg11[%swap3A_253, %swap3A_254] {strides = array<i32>} : memref<1x128xi32, #tpu.memory_space<vmem>>, vector<16xi32>,
      tpu.vector_store %arg11[%swap3A_253, %swap3A_254], %shift_right_logical3A_251 {strides = array<i32>} : memref<1x128xi32, #tpu.memory_space<vmem>>, vector<16xi32>,
      %get3A_256 = arith.index_cast %add3A_187 : i32 to index
      %get3A_257 = arith.constant 64 : index
      %get3A_258 = tpu.vector_load %arg7[%get3A_256, %get3A_257] {strides = array<i32>} : memref<80x128xi32, #tpu.memory_space<vmem>>, vector<16xi32>,
      %and3A_259 = arith.constant 65535 : i32
      %and3A_260 = vector.broadcast %and3A_259 : i32 to vector<16xi32>
      %and3A_261 = arith.andi %get3A_258, %and3A_260 : vector<16xi32>
      %swap3A_262 = arith.constant 0 : i32
      %swap3A_263 = arith.index_cast %swap3A_262 : i32 to index
      %swap3A_264 = arith.constant 64 : index
      %swap3A_265 = tpu.vector_load %arg10[%swap3A_263, %swap3A_264] {strides = array<i32>} : memref<1x128xi32, #tpu.memory_space<vmem>>, vector<16xi32>,
      tpu.vector_store %arg10[%swap3A_263, %swap3A_264], %and3A_261 {strides = array<i32>} : memref<1x128xi32, #tpu.memory_space<vmem>>, vector<16xi32>,
      %shift_right_logical3A_266 = arith.constant 16 : i32
      %shift_right_logical3A_267 = vector.broadcast %shift_right_logical3A_266 : i32 to vector<16xi32>
      %shift_right_logical3A_268 = arith.shrui %get3A_258, %shift_right_logical3A_267 : vector<16xi32>
      %swap3A_269 = arith.constant 0 : i32
      %swap3A_270 = arith.index_cast %swap3A_269 : i32 to index
      %swap3A_271 = arith.constant 64 : index
      %swap3A_272 = tpu.vector_load %arg11[%swap3A_270, %swap3A_271] {strides = array<i32>} : memref<1x128xi32, #tpu.memory_space<vmem>>, vector<16xi32>,
      tpu.vector_store %arg11[%swap3A_270, %swap3A_271], %shift_right_logical3A_268 {strides = array<i32>} : memref<1x128xi32, #tpu.memory_space<vmem>>, vector<16xi32>,
      %get3A_273 = arith.index_cast %add3A_187 : i32 to index
      %get3A_274 = arith.constant 80 : index
      %get3A_275 = tpu.vector_load %arg7[%get3A_273, %get3A_274] {strides = array<i32>} : memref<80x128xi32, #tpu.memory_space<vmem>>, vector<16xi32>,
      %and3A_276 = arith.constant 65535 : i32
      %and3A_277 = vector.broadcast %and3A_276 : i32 to vector<16xi32>
      %and3A_278 = arith.andi %get3A_275, %and3A_277 : vector<16xi32>
      %swap3A_279 = arith.constant 0 : i32
      %swap3A_280 = arith.index_cast %swap3A_279 : i32 to index
      %swap3A_281 = arith.constant 80 : index
      %swap3A_282 = tpu.vector_load %arg10[%swap3A_280, %swap3A_281] {strides = array<i32>} : memref<1x128xi32, #tpu.memory_space<vmem>>, vector<16xi32>,
      tpu.vector_store %arg10[%swap3A_280, %swap3A_281], %and3A_278 {strides = array<i32>} : memref<1x128xi32, #tpu.memory_space<vmem>>, vector<16xi32>,
      %shift_right_logical3A_283 = arith.constant 16 : i32
      %shift_right_logical3A_284 = vector.broadcast %shift_right_logical3A_283 : i32 to vector<16xi32>
      %shift_right_logical3A_285 = arith.shrui %get3A_275, %shift_right_logical3A_284 : vector<16xi32>
      %swap3A_286 = arith.constant 0 : i32
      %swap3A_287 = arith.index_cast %swap3A_286 : i32 to index
      %swap3A_288 = arith.constant 80 : index
      %swap3A_289 = tpu.vector_load %arg11[%swap3A_287, %swap3A_288] {strides = array<i32>} : memref<1x128xi32, #tpu.memory_space<vmem>>, vector<16xi32>,
      tpu.vector_store %arg11[%swap3A_287, %swap3A_288], %shift_right_logical3A_285 {strides = array<i32>} : memref<1x128xi32, #tpu.memory_space<vmem>>, vector<16xi32>,
      %get3A_290 = arith.index_cast %add3A_187 : i32 to index
      %get3A_291 = arith.constant 96 : index
      %get3A_292 = tpu.vector_load %arg7[%get3A_290, %get3A_291] {strides = array<i32>} : memref<80x128xi32, #tpu.memory_space<vmem>>, vector<16xi32>,
      %and3A_293 = arith.constant 65535 : i32
      %and3A_294 = vector.broadcast %and3A_293 : i32 to vector<16xi32>
      %and3A_295 = arith.andi %get3A_292, %and3A_294 : vector<16xi32>
      %swap3A_296 = arith.constant 0 : i32
      %swap3A_297 = arith.index_cast %swap3A_296 : i32 to index
      %swap3A_298 = arith.constant 96 : index
      %swap3A_299 = tpu.vector_load %arg10[%swap3A_297, %swap3A_298] {strides = array<i32>} : memref<1x128xi32, #tpu.memory_space<vmem>>, vector<16xi32>,
      tpu.vector_store %arg10[%swap3A_297, %swap3A_298], %and3A_295 {strides = array<i32>} : memref<1x128xi32, #tpu.memory_space<vmem>>, vector<16xi32>,
      %shift_right_logical3A_300 = arith.constant 16 : i32
      %shift_right_logical3A_301 = vector.broadcast %shift_right_logical3A_300 : i32 to vector<16xi32>
      %shift_right_logical3A_302 = arith.shrui %get3A_292, %shift_right_logical3A_301 : vector<16xi32>
      %swap3A_303 = arith.constant 0 : i32
      %swap3A_304 = arith.index_cast %swap3A_303 : i32 to index
      %swap3A_305 = arith.constant 96 : index
      %swap3A_306 = tpu.vector_load %arg11[%swap3A_304, %swap3A_305] {strides = array<i32>} : memref<1x128xi32, #tpu.memory_space<vmem>>, vector<16xi32>,
      tpu.vector_store %arg11[%swap3A_304, %swap3A_305], %shift_right_logical3A_302 {strides = array<i32>} : memref<1x128xi32, #tpu.memory_space<vmem>>, vector<16xi32>,
      %get3A_307 = arith.index_cast %add3A_187 : i32 to index
      %get3A_308 = arith.constant 112 : index
      %get3A_309 = tpu.vector_load %arg7[%get3A_307, %get3A_308] {strides = array<i32>} : memref<80x128xi32, #tpu.memory_space<vmem>>, vector<16xi32>,
      %and3A_310 = arith.constant 65535 : i32
      %and3A_311 = vector.broadcast %and3A_310 : i32 to vector<16xi32>
      %and3A_312 = arith.andi %get3A_309, %and3A_311 : vector<16xi32>
      %swap3A_313 = arith.constant 0 : i32
      %swap3A_314 = arith.index_cast %swap3A_313 : i32 to index
      %swap3A_315 = arith.constant 112 : index
      %swap3A_316 = tpu.vector_load %arg10[%swap3A_314, %swap3A_315] {strides = array<i32>} : memref<1x128xi32, #tpu.memory_space<vmem>>, vector<16xi32>,
      tpu.vector_store %arg10[%swap3A_314, %swap3A_315], %and3A_312 {strides = array<i32>} : memref<1x128xi32, #tpu.memory_space<vmem>>, vector<16xi32>,
      %shift_right_logical3A_317 = arith.constant 16 : i32
      %shift_right_logical3A_318 = vector.broadcast %shift_right_logical3A_317 : i32 to vector<16xi32>
      %shift_right_logical3A_319 = arith.shrui %get3A_309, %shift_right_logical3A_318 : vector<16xi32>
      %swap3A_320 = arith.constant 0 : i32
      %swap3A_321 = arith.index_cast %swap3A_320 : i32 to index
      %swap3A_322 = arith.constant 112 : index
      %swap3A_323 = tpu.vector_load %arg11[%swap3A_321, %swap3A_322] {strides = array<i32>} : memref<1x128xi32, #tpu.memory_space<vmem>>, vector<16xi32>,
      tpu.vector_store %arg11[%swap3A_321, %swap3A_322], %shift_right_logical3A_319 {strides = array<i32>} : memref<1x128xi32, #tpu.memory_space<vmem>>, vector<16xi32>,
      %dma_start3A_324 = arith.constant 0 : i32
      %dma_start3A_325 = arith.constant 0 : i32
      %dma_start3A_326 = arith.constant 0 : i32
      %dma_start3A_327 = tpu.memref_slice %arg13[%dma_start3A_325, %dma_start3A_326] : memref<128x128xf32, #tpu.memory_space<vmem>> -> memref<64x128xf32, #tpu.memory_space<vmem>>
      %dma_start3A_328 = arith.constant 0 : i32
      %dma_start3A_329 = tpu.memref_slice %arg10[%dma_start3A_324, %dma_start3A_328] : memref<1x128xi32, #tpu.memory_space<vmem>> -> memref<1x64xi32, #tpu.memory_space<vmem>>
      %dma_start3A_330 = tpu.memref_squeeze %dma_start3A_329 : memref<1x64xi32, #tpu.memory_space<vmem>> -> memref<64xi32, #tpu.memory_space<vmem>>
      %dma_start3A_331 = arith.constant 0 : i32
      %dma_start3A_332 = arith.constant 0 : i32
      %dma_start3A_333 = tpu.memref_slice %arg2[%dma_start3A_331, %dma_start3A_332] : memref<20480x128xf32, #tpu.memory_space<hbm>> -> memref<20480x128xf32, #tpu.memory_space<hbm>>
      tpu.enqueue_indirect_dma source(%dma_start3A_333 : memref<20480x128xf32, #tpu.memory_space<hbm>>) target(%dma_start3A_327 : memref<64x128xf32, #tpu.memory_space<vmem>>) offsets(%dma_start3A_330 : memref<64xi32, #tpu.memory_space<vmem>>) semaphore(%arg18 : memref<!tpu.dma_semaphore, #tpu.memory_space<semaphore_mem>>)
      %dma_start3A_334 = arith.constant 0 : i32
      %dma_start3A_335 = arith.constant 64 : i32
      %dma_start3A_336 = arith.constant 0 : i32
      %dma_start3A_337 = tpu.memref_slice %arg13[%dma_start3A_335, %dma_start3A_336] : memref<128x128xf32, #tpu.memory_space<vmem>> -> memref<64x128xf32, #tpu.memory_space<vmem>>
      %dma_start3A_338 = arith.constant 64 : i32
      %dma_start3A_339 = tpu.memref_slice %arg10[%dma_start3A_334, %dma_start3A_338] : memref<1x128xi32, #tpu.memory_space<vmem>> -> memref<1x64xi32, #tpu.memory_space<vmem>>
      %dma_start3A_340 = tpu.memref_squeeze %dma_start3A_339 : memref<1x64xi32, #tpu.memory_space<vmem>> -> memref<64xi32, #tpu.memory_space<vmem>>
      %dma_start3A_341 = arith.constant 0 : i32
      %dma_start3A_342 = arith.constant 0 : i32
      %dma_start3A_343 = tpu.memref_slice %arg2[%dma_start3A_341, %dma_start3A_342] : memref<20480x128xf32, #tpu.memory_space<hbm>> -> memref<20480x128xf32, #tpu.memory_space<hbm>>
      tpu.enqueue_indirect_dma source(%dma_start3A_343 : memref<20480x128xf32, #tpu.memory_space<hbm>>) target(%dma_start3A_337 : memref<64x128xf32, #tpu.memory_space<vmem>>) offsets(%dma_start3A_340 : memref<64xi32, #tpu.memory_space<vmem>>) semaphore(%arg18 : memref<!tpu.dma_semaphore, #tpu.memory_space<semaphore_mem>>)
      %dma_wait3A_344 = arith.constant 0 : i32
      %dma_wait3A_345 = arith.constant 0 : i32
      %dma_wait3A_346 = tpu.memref_slice %arg8[%dma_wait3A_344, %dma_wait3A_345] : memref<1x128xi32, #tpu.memory_space<vmem>> -> memref<1x128xi32, #tpu.memory_space<vmem>>
      %dma_wait3A_347 = tpu.memref_squeeze %dma_wait3A_346 : memref<1x128xi32, #tpu.memory_space<vmem>> -> memref<128xi32, #tpu.memory_space<vmem>>
      %dma_wait3A_348 = arith.constant 0 : i32
      %dma_wait3A_349 = arith.constant 0 : i32
      %dma_wait3A_350 = tpu.memref_slice %arg2[%dma_wait3A_348, %dma_wait3A_349] : memref<20480x128xf32, #tpu.memory_space<hbm>> -> memref<20480x128xf32, #tpu.memory_space<hbm>>
      tpu.wait_indirect_dma semaphore(%arg17 : memref<!tpu.dma_semaphore, #tpu.memory_space<semaphore_mem>>) src(%dma_wait3A_350 : memref<20480x128xf32, #tpu.memory_space<hbm>>) dst(%arg12 : memref<128x128xf32, #tpu.memory_space<vmem>>)
      %run_scoped3A_351 = arith.constant 0 : i32
      "tpu.region"() ({
        %run_scoped3A_521 = tpu.sem_alloc : memref<!tpu.dma_semaphore, #tpu.memory_space<semaphore_mem>>
        %dma_start3A_522 = arith.constant 0 : i32
        %dma_start3A_523 = tpu.memref_slice %arg9[%run_scoped3A_351, %dma_start3A_522] : memref<1x128xi32, #tpu.memory_space<vmem>> -> memref<1x128xi32, #tpu.memory_space<vmem>>
        %dma_start3A_524 = tpu.memref_squeeze %dma_start3A_523 : memref<1x128xi32, #tpu.memory_space<vmem>> -> memref<128xi32, #tpu.memory_space<vmem>>
        %dma_start3A_525 = arith.constant 0 : i32
        %dma_start3A_526 = arith.constant 0 : i32
        %dma_start3A_527 = tpu.memref_slice %arg16[%dma_start3A_525, %dma_start3A_526] : memref<10240x128xf32, #tpu.memory_space<vmem_shared>> -> memref<10240x128xf32, #tpu.memory_space<vmem_shared>>
        tpu.enqueue_indirect_dma source(%arg12 : memref<128x128xf32, #tpu.memory_space<vmem>>) target(%dma_start3A_527 : memref<10240x128xf32, #tpu.memory_space<vmem_shared>>) offsets(%dma_start3A_524 : memref<128xi32, #tpu.memory_space<vmem>>) semaphore(%run_scoped3A_521 : memref<!tpu.dma_semaphore, #tpu.memory_space<semaphore_mem>>) {add = true}
        %dma_wait3A_528 = arith.constant 0 : i32
        %dma_wait3A_529 = tpu.memref_slice %arg9[%run_scoped3A_351, %dma_wait3A_528] : memref<1x128xi32, #tpu.memory_space<vmem>> -> memref<1x128xi32, #tpu.memory_space<vmem>>
        %dma_wait3A_530 = tpu.memref_squeeze %dma_wait3A_529 : memref<1x128xi32, #tpu.memory_space<vmem>> -> memref<128xi32, #tpu.memory_space<vmem>>
        %dma_wait3A_531 = arith.constant 0 : i32
        %dma_wait3A_532 = arith.constant 0 : i32
        %dma_wait3A_533 = tpu.memref_slice %arg16[%dma_wait3A_531, %dma_wait3A_532] : memref<10240x128xf32, #tpu.memory_space<vmem_shared>> -> memref<10240x128xf32, #tpu.memory_space<vmem_shared>>
        tpu.wait_indirect_dma semaphore(%run_scoped3A_521 : memref<!tpu.dma_semaphore, #tpu.memory_space<semaphore_mem>>) src(%arg12 : memref<128x128xf32, #tpu.memory_space<vmem>>) dst(%dma_wait3A_533 : memref<10240x128xf32, #tpu.memory_space<vmem_shared>>)
        tpu.yield
      }) : () -> ()
      %add3A_352 = arith.constant 2 : i32
      %add3A_353 = arith.addi %mul3A_186, %add3A_352 : i32
      %ge3A = arith.constant 80 : i32
      %ge3A_354 = arith.cmpi sge, %add3A_353, %ge3A : i32
      %add3A_355 = arith.constant 2 : i32
      %add3A_356 = arith.addi %mul3A_186, %add3A_355 : i32
      %jit3A = arith.constant 0 : i32
      %select_n3A = arith.select %ge3A_354, %jit3A, %add3A_356 : i32
      %get3A_357 = arith.index_cast %select_n3A : i32 to index
      %get3A_358 = arith.constant 0 : index
      %get3A_359 = tpu.vector_load %arg7[%get3A_357, %get3A_358] {strides = array<i32>} : memref<80x128xi32, #tpu.memory_space<vmem>>, vector<16xi32>,
      %and3A_360 = arith.constant 65535 : i32
      %and3A_361 = vector.broadcast %and3A_360 : i32 to vector<16xi32>
      %and3A_362 = arith.andi %get3A_359, %and3A_361 : vector<16xi32>
      %swap3A_363 = arith.constant 0 : i32
      %swap3A_364 = arith.index_cast %swap3A_363 : i32 to index
      %swap3A_365 = arith.constant 0 : index
      %swap3A_366 = tpu.vector_load %arg8[%swap3A_364, %swap3A_365] {strides = array<i32>} : memref<1x128xi32, #tpu.memory_space<vmem>>, vector<16xi32>,
      tpu.vector_store %arg8[%swap3A_364, %swap3A_365], %and3A_362 {strides = array<i32>} : memref<1x128xi32, #tpu.memory_space<vmem>>, vector<16xi32>,
      %shift_right_logical3A_367 = arith.constant 16 : i32
      %shift_right_logical3A_368 = vector.broadcast %shift_right_logical3A_367 : i32 to vector<16xi32>
      %shift_right_logical3A_369 = arith.shrui %get3A_359, %shift_right_logical3A_368 : vector<16xi32>
      %swap3A_370 = arith.constant 0 : i32
      %swap3A_371 = arith.index_cast %swap3A_370 : i32 to index
      %swap3A_372 = arith.constant 0 : index
      %swap3A_373 = tpu.vector_load %arg9[%swap3A_371, %swap3A_372] {strides = array<i32>} : memref<1x128xi32, #tpu.memory_space<vmem>>, vector<16xi32>,
      tpu.vector_store %arg9[%swap3A_371, %swap3A_372], %shift_right_logical3A_369 {strides = array<i32>} : memref<1x128xi32, #tpu.memory_space<vmem>>, vector<16xi32>,
      %get3A_374 = arith.index_cast %select_n3A : i32 to index
      %get3A_375 = arith.constant 16 : index
      %get3A_376 = tpu.vector_load %arg7[%get3A_374, %get3A_375] {strides = array<i32>} : memref<80x128xi32, #tpu.memory_space<vmem>>, vector<16xi32>,
      %and3A_377 = arith.constant 65535 : i32
      %and3A_378 = vector.broadcast %and3A_377 : i32 to vector<16xi32>
      %and3A_379 = arith.andi %get3A_376, %and3A_378 : vector<16xi32>
      %swap3A_380 = arith.constant 0 : i32
      %swap3A_381 = arith.index_cast %swap3A_380 : i32 to index
      %swap3A_382 = arith.constant 16 : index
      %swap3A_383 = tpu.vector_load %arg8[%swap3A_381, %swap3A_382] {strides = array<i32>} : memref<1x128xi32, #tpu.memory_space<vmem>>, vector<16xi32>,
      tpu.vector_store %arg8[%swap3A_381, %swap3A_382], %and3A_379 {strides = array<i32>} : memref<1x128xi32, #tpu.memory_space<vmem>>, vector<16xi32>,
      %shift_right_logical3A_384 = arith.constant 16 : i32
      %shift_right_logical3A_385 = vector.broadcast %shift_right_logical3A_384 : i32 to vector<16xi32>
      %shift_right_logical3A_386 = arith.shrui %get3A_376, %shift_right_logical3A_385 : vector<16xi32>
      %swap3A_387 = arith.constant 0 : i32
      %swap3A_388 = arith.index_cast %swap3A_387 : i32 to index
      %swap3A_389 = arith.constant 16 : index
      %swap3A_390 = tpu.vector_load %arg9[%swap3A_388, %swap3A_389] {strides = array<i32>} : memref<1x128xi32, #tpu.memory_space<vmem>>, vector<16xi32>,
      tpu.vector_store %arg9[%swap3A_388, %swap3A_389], %shift_right_logical3A_386 {strides = array<i32>} : memref<1x128xi32, #tpu.memory_space<vmem>>, vector<16xi32>,
      %get3A_391 = arith.index_cast %select_n3A : i32 to index
      %get3A_392 = arith.constant 32 : index
      %get3A_393 = tpu.vector_load %arg7[%get3A_391, %get3A_392] {strides = array<i32>} : memref<80x128xi32, #tpu.memory_space<vmem>>, vector<16xi32>,
      %and3A_394 = arith.constant 65535 : i32
      %and3A_395 = vector.broadcast %and3A_394 : i32 to vector<16xi32>
      %and3A_396 = arith.andi %get3A_393, %and3A_395 : vector<16xi32>
      %swap3A_397 = arith.constant 0 : i32
      %swap3A_398 = arith.index_cast %swap3A_397 : i32 to index
      %swap3A_399 = arith.constant 32 : index
      %swap3A_400 = tpu.vector_load %arg8[%swap3A_398, %swap3A_399] {strides = array<i32>} : memref<1x128xi32, #tpu.memory_space<vmem>>, vector<16xi32>,
      tpu.vector_store %arg8[%swap3A_398, %swap3A_399], %and3A_396 {strides = array<i32>} : memref<1x128xi32, #tpu.memory_space<vmem>>, vector<16xi32>,
      %shift_right_logical3A_401 = arith.constant 16 : i32
      %shift_right_logical3A_402 = vector.broadcast %shift_right_logical3A_401 : i32 to vector<16xi32>
      %shift_right_logical3A_403 = arith.shrui %get3A_393, %shift_right_logical3A_402 : vector<16xi32>
      %swap3A_404 = arith.constant 0 : i32
      %swap3A_405 = arith.index_cast %swap3A_404 : i32 to index
      %swap3A_406 = arith.constant 32 : index
      %swap3A_407 = tpu.vector_load %arg9[%swap3A_405, %swap3A_406] {strides = array<i32>} : memref<1x128xi32, #tpu.memory_space<vmem>>, vector<16xi32>,
      tpu.vector_store %arg9[%swap3A_405, %swap3A_406], %shift_right_logical3A_403 {strides = array<i32>} : memref<1x128xi32, #tpu.memory_space<vmem>>, vector<16xi32>,
      %get3A_408 = arith.index_cast %select_n3A : i32 to index
      %get3A_409 = arith.constant 48 : index
      %get3A_410 = tpu.vector_load %arg7[%get3A_408, %get3A_409] {strides = array<i32>} : memref<80x128xi32, #tpu.memory_space<vmem>>, vector<16xi32>,
      %and3A_411 = arith.constant 65535 : i32
      %and3A_412 = vector.broadcast %and3A_411 : i32 to vector<16xi32>
      %and3A_413 = arith.andi %get3A_410, %and3A_412 : vector<16xi32>
      %swap3A_414 = arith.constant 0 : i32
      %swap3A_415 = arith.index_cast %swap3A_414 : i32 to index
      %swap3A_416 = arith.constant 48 : index
      %swap3A_417 = tpu.vector_load %arg8[%swap3A_415, %swap3A_416] {strides = array<i32>} : memref<1x128xi32, #tpu.memory_space<vmem>>, vector<16xi32>,
      tpu.vector_store %arg8[%swap3A_415, %swap3A_416], %and3A_413 {strides = array<i32>} : memref<1x128xi32, #tpu.memory_space<vmem>>, vector<16xi32>,
      %shift_right_logical3A_418 = arith.constant 16 : i32
      %shift_right_logical3A_419 = vector.broadcast %shift_right_logical3A_418 : i32 to vector<16xi32>
      %shift_right_logical3A_420 = arith.shrui %get3A_410, %shift_right_logical3A_419 : vector<16xi32>
      %swap3A_421 = arith.constant 0 : i32
      %swap3A_422 = arith.index_cast %swap3A_421 : i32 to index
      %swap3A_423 = arith.constant 48 : index
      %swap3A_424 = tpu.vector_load %arg9[%swap3A_422, %swap3A_423] {strides = array<i32>} : memref<1x128xi32, #tpu.memory_space<vmem>>, vector<16xi32>,
      tpu.vector_store %arg9[%swap3A_422, %swap3A_423], %shift_right_logical3A_420 {strides = array<i32>} : memref<1x128xi32, #tpu.memory_space<vmem>>, vector<16xi32>,
      %get3A_425 = arith.index_cast %select_n3A : i32 to index
      %get3A_426 = arith.constant 64 : index
      %get3A_427 = tpu.vector_load %arg7[%get3A_425, %get3A_426] {strides = array<i32>} : memref<80x128xi32, #tpu.memory_space<vmem>>, vector<16xi32>,
      %and3A_428 = arith.constant 65535 : i32
      %and3A_429 = vector.broadcast %and3A_428 : i32 to vector<16xi32>
      %and3A_430 = arith.andi %get3A_427, %and3A_429 : vector<16xi32>
      %swap3A_431 = arith.constant 0 : i32
      %swap3A_432 = arith.index_cast %swap3A_431 : i32 to index
      %swap3A_433 = arith.constant 64 : index
      %swap3A_434 = tpu.vector_load %arg8[%swap3A_432, %swap3A_433] {strides = array<i32>} : memref<1x128xi32, #tpu.memory_space<vmem>>, vector<16xi32>,
      tpu.vector_store %arg8[%swap3A_432, %swap3A_433], %and3A_430 {strides = array<i32>} : memref<1x128xi32, #tpu.memory_space<vmem>>, vector<16xi32>,
      %shift_right_logical3A_435 = arith.constant 16 : i32
      %shift_right_logical3A_436 = vector.broadcast %shift_right_logical3A_435 : i32 to vector<16xi32>
      %shift_right_logical3A_437 = arith.shrui %get3A_427, %shift_right_logical3A_436 : vector<16xi32>
      %swap3A_438 = arith.constant 0 : i32
      %swap3A_439 = arith.index_cast %swap3A_438 : i32 to index
      %swap3A_440 = arith.constant 64 : index
      %swap3A_441 = tpu.vector_load %arg9[%swap3A_439, %swap3A_440] {strides = array<i32>} : memref<1x128xi32, #tpu.memory_space<vmem>>, vector<16xi32>,
      tpu.vector_store %arg9[%swap3A_439, %swap3A_440], %shift_right_logical3A_437 {strides = array<i32>} : memref<1x128xi32, #tpu.memory_space<vmem>>, vector<16xi32>,
      %get3A_442 = arith.index_cast %select_n3A : i32 to index
      %get3A_443 = arith.constant 80 : index
      %get3A_444 = tpu.vector_load %arg7[%get3A_442, %get3A_443] {strides = array<i32>} : memref<80x128xi32, #tpu.memory_space<vmem>>, vector<16xi32>,
      %and3A_445 = arith.constant 65535 : i32
      %and3A_446 = vector.broadcast %and3A_445 : i32 to vector<16xi32>
      %and3A_447 = arith.andi %get3A_444, %and3A_446 : vector<16xi32>
      %swap3A_448 = arith.constant 0 : i32
      %swap3A_449 = arith.index_cast %swap3A_448 : i32 to index
      %swap3A_450 = arith.constant 80 : index
      %swap3A_451 = tpu.vector_load %arg8[%swap3A_449, %swap3A_450] {strides = array<i32>} : memref<1x128xi32, #tpu.memory_space<vmem>>, vector<16xi32>,
      tpu.vector_store %arg8[%swap3A_449, %swap3A_450], %and3A_447 {strides = array<i32>} : memref<1x128xi32, #tpu.memory_space<vmem>>, vector<16xi32>,
      %shift_right_logical3A_452 = arith.constant 16 : i32
      %shift_right_logical3A_453 = vector.broadcast %shift_right_logical3A_452 : i32 to vector<16xi32>
      %shift_right_logical3A_454 = arith.shrui %get3A_444, %shift_right_logical3A_453 : vector<16xi32>
      %swap3A_455 = arith.constant 0 : i32
      %swap3A_456 = arith.index_cast %swap3A_455 : i32 to index
      %swap3A_457 = arith.constant 80 : index
      %swap3A_458 = tpu.vector_load %arg9[%swap3A_456, %swap3A_457] {strides = array<i32>} : memref<1x128xi32, #tpu.memory_space<vmem>>, vector<16xi32>,
      tpu.vector_store %arg9[%swap3A_456, %swap3A_457], %shift_right_logical3A_454 {strides = array<i32>} : memref<1x128xi32, #tpu.memory_space<vmem>>, vector<16xi32>,
      %get3A_459 = arith.index_cast %select_n3A : i32 to index
      %get3A_460 = arith.constant 96 : index
      %get3A_461 = tpu.vector_load %arg7[%get3A_459, %get3A_460] {strides = array<i32>} : memref<80x128xi32, #tpu.memory_space<vmem>>, vector<16xi32>,
      %and3A_462 = arith.constant 65535 : i32
      %and3A_463 = vector.broadcast %and3A_462 : i32 to vector<16xi32>
      %and3A_464 = arith.andi %get3A_461, %and3A_463 : vector<16xi32>
      %swap3A_465 = arith.constant 0 : i32
      %swap3A_466 = arith.index_cast %swap3A_465 : i32 to index
      %swap3A_467 = arith.constant 96 : index
      %swap3A_468 = tpu.vector_load %arg8[%swap3A_466, %swap3A_467] {strides = array<i32>} : memref<1x128xi32, #tpu.memory_space<vmem>>, vector<16xi32>,
      tpu.vector_store %arg8[%swap3A_466, %swap3A_467], %and3A_464 {strides = array<i32>} : memref<1x128xi32, #tpu.memory_space<vmem>>, vector<16xi32>,
      %shift_right_logical3A_469 = arith.constant 16 : i32
      %shift_right_logical3A_470 = vector.broadcast %shift_right_logical3A_469 : i32 to vector<16xi32>
      %shift_right_logical3A_471 = arith.shrui %get3A_461, %shift_right_logical3A_470 : vector<16xi32>
      %swap3A_472 = arith.constant 0 : i32
      %swap3A_473 = arith.index_cast %swap3A_472 : i32 to index
      %swap3A_474 = arith.constant 96 : index
      %swap3A_475 = tpu.vector_load %arg9[%swap3A_473, %swap3A_474] {strides = array<i32>} : memref<1x128xi32, #tpu.memory_space<vmem>>, vector<16xi32>,
      tpu.vector_store %arg9[%swap3A_473, %swap3A_474], %shift_right_logical3A_471 {strides = array<i32>} : memref<1x128xi32, #tpu.memory_space<vmem>>, vector<16xi32>,
      %get3A_476 = arith.index_cast %select_n3A : i32 to index
      %get3A_477 = arith.constant 112 : index
      %get3A_478 = tpu.vector_load %arg7[%get3A_476, %get3A_477] {strides = array<i32>} : memref<80x128xi32, #tpu.memory_space<vmem>>, vector<16xi32>,
      %and3A_479 = arith.constant 65535 : i32
      %and3A_480 = vector.broadcast %and3A_479 : i32 to vector<16xi32>
      %and3A_481 = arith.andi %get3A_478, %and3A_480 : vector<16xi32>
      %swap3A_482 = arith.constant 0 : i32
      %swap3A_483 = arith.index_cast %swap3A_482 : i32 to index
      %swap3A_484 = arith.constant 112 : index
      %swap3A_485 = tpu.vector_load %arg8[%swap3A_483, %swap3A_484] {strides = array<i32>} : memref<1x128xi32, #tpu.memory_space<vmem>>, vector<16xi32>,
      tpu.vector_store %arg8[%swap3A_483, %swap3A_484], %and3A_481 {strides = array<i32>} : memref<1x128xi32, #tpu.memory_space<vmem>>, vector<16xi32>,
      %shift_right_logical3A_486 = arith.constant 16 : i32
      %shift_right_logical3A_487 = vector.broadcast %shift_right_logical3A_486 : i32 to vector<16xi32>
      %shift_right_logical3A_488 = arith.shrui %get3A_478, %shift_right_logical3A_487 : vector<16xi32>
      %swap3A_489 = arith.constant 0 : i32
      %swap3A_490 = arith.index_cast %swap3A_489 : i32 to index
      %swap3A_491 = arith.constant 112 : index
      %swap3A_492 = tpu.vector_load %arg9[%swap3A_490, %swap3A_491] {strides = array<i32>} : memref<1x128xi32, #tpu.memory_space<vmem>>, vector<16xi32>,
      tpu.vector_store %arg9[%swap3A_490, %swap3A_491], %shift_right_logical3A_488 {strides = array<i32>} : memref<1x128xi32, #tpu.memory_space<vmem>>, vector<16xi32>,
      %dma_start3A_493 = arith.constant 0 : i32
      %dma_start3A_494 = arith.constant 0 : i32
      %dma_start3A_495 = arith.constant 0 : i32
      %dma_start3A_496 = tpu.memref_slice %arg12[%dma_start3A_494, %dma_start3A_495] : memref<128x128xf32, #tpu.memory_space<vmem>> -> memref<64x128xf32, #tpu.memory_space<vmem>>
      %dma_start3A_497 = arith.constant 0 : i32
      %dma_start3A_498 = tpu.memref_slice %arg8[%dma_start3A_493, %dma_start3A_497] : memref<1x128xi32, #tpu.memory_space<vmem>> -> memref<1x64xi32, #tpu.memory_space<vmem>>
      %dma_start3A_499 = tpu.memref_squeeze %dma_start3A_498 : memref<1x64xi32, #tpu.memory_space<vmem>> -> memref<64xi32, #tpu.memory_space<vmem>>
      %dma_start3A_500 = arith.constant 0 : i32
      %dma_start3A_501 = arith.constant 0 : i32
      %dma_start3A_502 = tpu.memref_slice %arg2[%dma_start3A_500, %dma_start3A_501] : memref<20480x128xf32, #tpu.memory_space<hbm>> -> memref<20480x128xf32, #tpu.memory_space<hbm>>
      tpu.enqueue_indirect_dma source(%dma_start3A_502 : memref<20480x128xf32, #tpu.memory_space<hbm>>) target(%dma_start3A_496 : memref<64x128xf32, #tpu.memory_space<vmem>>) offsets(%dma_start3A_499 : memref<64xi32, #tpu.memory_space<vmem>>) semaphore(%arg17 : memref<!tpu.dma_semaphore, #tpu.memory_space<semaphore_mem>>)
      %dma_start3A_503 = arith.constant 0 : i32
      %dma_start3A_504 = arith.constant 64 : i32
      %dma_start3A_505 = arith.constant 0 : i32
      %dma_start3A_506 = tpu.memref_slice %arg12[%dma_start3A_504, %dma_start3A_505] : memref<128x128xf32, #tpu.memory_space<vmem>> -> memref<64x128xf32, #tpu.memory_space<vmem>>
      %dma_start3A_507 = arith.constant 64 : i32
      %dma_start3A_508 = tpu.memref_slice %arg8[%dma_start3A_503, %dma_start3A_507] : memref<1x128xi32, #tpu.memory_space<vmem>> -> memref<1x64xi32, #tpu.memory_space<vmem>>
      %dma_start3A_509 = tpu.memref_squeeze %dma_start3A_508 : memref<1x64xi32, #tpu.memory_space<vmem>> -> memref<64xi32, #tpu.memory_space<vmem>>
      %dma_start3A_510 = arith.constant 0 : i32
      %dma_start3A_511 = arith.constant 0 : i32
      %dma_start3A_512 = tpu.memref_slice %arg2[%dma_start3A_510, %dma_start3A_511] : memref<20480x128xf32, #tpu.memory_space<hbm>> -> memref<20480x128xf32, #tpu.memory_space<hbm>>
      tpu.enqueue_indirect_dma source(%dma_start3A_512 : memref<20480x128xf32, #tpu.memory_space<hbm>>) target(%dma_start3A_506 : memref<64x128xf32, #tpu.memory_space<vmem>>) offsets(%dma_start3A_509 : memref<64xi32, #tpu.memory_space<vmem>>) semaphore(%arg17 : memref<!tpu.dma_semaphore, #tpu.memory_space<semaphore_mem>>)
      %dma_wait3A_513 = arith.constant 0 : i32
      %dma_wait3A_514 = arith.constant 0 : i32
      %dma_wait3A_515 = tpu.memref_slice %arg8[%dma_wait3A_513, %dma_wait3A_514] : memref<1x128xi32, #tpu.memory_space<vmem>> -> memref<1x128xi32, #tpu.memory_space<vmem>>
      %dma_wait3A_516 = tpu.memref_squeeze %dma_wait3A_515 : memref<1x128xi32, #tpu.memory_space<vmem>> -> memref<128xi32, #tpu.memory_space<vmem>>
      %dma_wait3A_517 = arith.constant 0 : i32
      %dma_wait3A_518 = arith.constant 0 : i32
      %dma_wait3A_519 = tpu.memref_slice %arg2[%dma_wait3A_517, %dma_wait3A_518] : memref<20480x128xf32, #tpu.memory_space<hbm>> -> memref<20480x128xf32, #tpu.memory_space<hbm>>
      tpu.wait_indirect_dma semaphore(%arg18 : memref<!tpu.dma_semaphore, #tpu.memory_space<semaphore_mem>>) src(%dma_wait3A_519 : memref<20480x128xf32, #tpu.memory_space<hbm>>) dst(%arg13 : memref<128x128xf32, #tpu.memory_space<vmem>>)
      %run_scoped3A_520 = arith.constant 0 : i32
      "tpu.region"() ({
        %run_scoped3A_521 = tpu.sem_alloc : memref<!tpu.dma_semaphore, #tpu.memory_space<semaphore_mem>>
        %dma_start3A_522 = arith.constant 0 : i32
        %dma_start3A_523 = tpu.memref_slice %arg11[%run_scoped3A_520, %dma_start3A_522] : memref<1x128xi32, #tpu.memory_space<vmem>> -> memref<1x128xi32, #tpu.memory_space<vmem>>
        %dma_start3A_524 = tpu.memref_squeeze %dma_start3A_523 : memref<1x128xi32, #tpu.memory_space<vmem>> -> memref<128xi32, #tpu.memory_space<vmem>>
        %dma_start3A_525 = arith.constant 0 : i32
        %dma_start3A_526 = arith.constant 0 : i32
        %dma_start3A_527 = tpu.memref_slice %arg16[%dma_start3A_525, %dma_start3A_526] : memref<10240x128xf32, #tpu.memory_space<vmem_shared>> -> memref<10240x128xf32, #tpu.memory_space<vmem_shared>>
        tpu.enqueue_indirect_dma source(%arg13 : memref<128x128xf32, #tpu.memory_space<vmem>>) target(%dma_start3A_527 : memref<10240x128xf32, #tpu.memory_space<vmem_shared>>) offsets(%dma_start3A_524 : memref<128xi32, #tpu.memory_space<vmem>>) semaphore(%run_scoped3A_521 : memref<!tpu.dma_semaphore, #tpu.memory_space<semaphore_mem>>) {add = true}
        %dma_wait3A_528 = arith.constant 0 : i32
        %dma_wait3A_529 = tpu.memref_slice %arg11[%run_scoped3A_520, %dma_wait3A_528] : memref<1x128xi32, #tpu.memory_space<vmem>> -> memref<1x128xi32, #tpu.memory_space<vmem>>
        %dma_wait3A_530 = tpu.memref_squeeze %dma_wait3A_529 : memref<1x128xi32, #tpu.memory_space<vmem>> -> memref<128xi32, #tpu.memory_space<vmem>>
        %dma_wait3A_531 = arith.constant 0 : i32
        %dma_wait3A_532 = arith.constant 0 : i32
        %dma_wait3A_533 = tpu.memref_slice %arg16[%dma_wait3A_531, %dma_wait3A_532] : memref<10240x128xf32, #tpu.memory_space<vmem_shared>> -> memref<10240x128xf32, #tpu.memory_space<vmem_shared>>
        tpu.wait_indirect_dma semaphore(%run_scoped3A_521 : memref<!tpu.dma_semaphore, #tpu.memory_space<semaphore_mem>>) src(%arg13 : memref<128x128xf32, #tpu.memory_space<vmem>>) dst(%dma_wait3A_533 : memref<10240x128xf32, #tpu.memory_space<vmem_shared>>)
        tpu.yield
      }) : () -> ()
    }
    %scan3A_170 = arith.constant 40 : i32
    %dma_wait3A = arith.constant 0 : i32
    %dma_wait3A_171 = arith.constant 0 : i32
    %dma_wait3A_172 = tpu.memref_slice %arg8[%dma_wait3A, %dma_wait3A_171] : memref<1x128xi32, #tpu.memory_space<vmem>> -> memref<1x128xi32, #tpu.memory_space<vmem>>
    %dma_wait3A_173 = tpu.memref_squeeze %dma_wait3A_172 : memref<1x128xi32, #tpu.memory_space<vmem>> -> memref<128xi32, #tpu.memory_space<vmem>>
    %dma_wait3A_174 = arith.constant 0 : i32
    %dma_wait3A_175 = arith.constant 0 : i32
    %dma_wait3A_176 = tpu.memref_slice %arg2[%dma_wait3A_174, %dma_wait3A_175] : memref<20480x128xf32, #tpu.memory_space<hbm>> -> memref<20480x128xf32, #tpu.memory_space<hbm>>
    tpu.wait_indirect_dma semaphore(%arg17 : memref<!tpu.dma_semaphore, #tpu.memory_space<semaphore_mem>>) src(%dma_wait3A_176 : memref<20480x128xf32, #tpu.memory_space<hbm>>) dst(%arg12 : memref<128x128xf32, #tpu.memory_space<vmem>>)
    %barrier3A_177 = arith.constant 0 : index
    tpu.barrier barrier_id(%barrier3A_177)
    %scan3A_178 = arith.constant 0 : i32
    %scan3A_179 = arith.constant 0 : i32
    %scan3A_180 = arith.constant 5 : i32
    %scan3A_181 = arith.addi %scan3A_179, %scan3A_180 : i32
    %scan3A_182 = arith.constant 1 : i32
    scf.for %scan3A_184 = %scan3A_179 to %scan3A_181 step %scan3A_182  : i32 {
      %mul3A_185 = arith.constant 640 : i32
      %mul3A_186 = arith.muli %arg1, %mul3A_185 : i32
      %mul3A_187 = arith.constant 128 : i32
      %mul3A_188 = arith.muli %scan3A_184, %mul3A_187 : i32
      %add3A = arith.addi %mul3A_186, %mul3A_188 : i32
      "tpu.region"() ({
        %run_scoped3A_197 = tpu.sem_alloc : memref<!tpu.dma_semaphore, #tpu.memory_space<semaphore_mem>>
        %dma_start3A_198 = arith.constant 0 : i32
        %dma_start3A_199 = tpu.memref_slice %arg16[%add3A, %dma_start3A_198] : memref<10240x128xf32, #tpu.memory_space<vmem_shared>> -> memref<128x128xf32, #tpu.memory_space<vmem_shared>>
        %dma_start3A_200 = arith.constant 0 : i32
        %dma_start3A_201 = tpu.memref_slice %arg16[%add3A, %dma_start3A_200] : memref<10240x128xf32, #tpu.memory_space<vmem_shared>> -> memref<128x128xf32, #tpu.memory_space<vmem_shared>>
        tpu.enqueue_dma source(%dma_start3A_201 : memref<128x128xf32, #tpu.memory_space<vmem_shared>>) target(%arg12 : memref<128x128xf32, #tpu.memory_space<vmem>>) target_semaphore(%run_scoped3A_197 : memref<!tpu.dma_semaphore, #tpu.memory_space<semaphore_mem>>)
        %dma_wait3A_202 = arith.constant 0 : i32
        %dma_wait3A_203 = tpu.memref_slice %arg16[%add3A, %dma_wait3A_202] : memref<10240x128xf32, #tpu.memory_space<vmem_shared>> -> memref<128x128xf32, #tpu.memory_space<vmem_shared>>
        %dma_wait3A_204 = arith.constant 0 : i32
        %dma_wait3A_205 = tpu.memref_slice %arg16[%add3A, %dma_wait3A_204] : memref<10240x128xf32, #tpu.memory_space<vmem_shared>> -> memref<128x128xf32, #tpu.memory_space<vmem_shared>>
        tpu.wait_dma2 semaphore(%run_scoped3A_197 : memref<!tpu.dma_semaphore, #tpu.memory_space<semaphore_mem>>) src(%dma_wait3A_205 : memref<128x128xf32, #tpu.memory_space<vmem_shared>>) dst(%arg12 : memref<128x128xf32, #tpu.memory_space<vmem>>)
        tpu.yield
      }) : () -> ()
      %scan3A_189 = arith.constant 0 : i32
      %scan3A_190 = arith.constant 0 : i32
      %scan3A_191 = arith.constant 32 : i32
      %scan3A_192 = arith.addi %scan3A_190, %scan3A_191 : i32
      %scan3A_193 = arith.constant 1 : i32
      scf.for %scan3A_197 = %scan3A_190 to %scan3A_192 step %scan3A_193  : i32 {
        %mul3A_198 = arith.constant 4 : i32
        %mul3A_199 = arith.muli %scan3A_197, %mul3A_198 : i32
        %add3A_200 = arith.constant 0 : i32
        %add3A_201 = arith.addi %mul3A_199, %add3A_200 : i32
        %broadcast_in_dim3A = arith.constant 0 : i32
        %broadcast_in_dim3A_202 = vector.broadcast %broadcast_in_dim3A : i32 to vector<16xi32>
        %mul3A_203 = arith.constant 128 : i32
        %mul3A_204 = arith.muli %scan3A_184, %mul3A_203 : i32
        %add3A_205 = arith.addi %mul3A_204, %add3A_201 : i32
        %add3A_206 = vector.broadcast %add3A_205 : i32 to vector<16xi32>
        %add3A_207 = arith.addi %broadcast_in_dim3A_202, %add3A_206 : vector<16xi32>
        %gather3A = tpu.vector_load_idx %arg14[%add3A_207] : memref<640xf32, #tpu.memory_space<vmem>>[vector<16xi32>], vector<16xf32>,
        %get3A_208 = arith.index_cast %add3A_201 : i32 to index
        %get3A_209 = arith.constant 0 : index
        %get3A_210 = tpu.vector_load %arg12[%get3A_208, %get3A_209] {strides = array<i32>} : memref<128x128xf32, #tpu.memory_space<vmem>>, vector<16xf32>,
        %mul3A_211 = arith.mulf %get3A_210, %gather3A : vector<16xf32>
        %get3A_212 = arith.constant 0 : index
        %get3A_213 = tpu.vector_load %arg15[%get3A_212] {strides = array<i32>} : memref<128xf32, #tpu.memory_space<vmem>>, vector<16xf32>,
        %add3A_214 = arith.addf %mul3A_211, %get3A_213 : vector<16xf32>
        %swap3A_215 = arith.index_cast %add3A_201 : i32 to index
        %swap3A_216 = arith.constant 0 : index
        %swap3A_217 = tpu.vector_load %arg12[%swap3A_215, %swap3A_216] {strides = array<i32>} : memref<128x128xf32, #tpu.memory_space<vmem>>, vector<16xf32>,
        tpu.vector_store %arg12[%swap3A_215, %swap3A_216], %add3A_214 {strides = array<i32>} : memref<128x128xf32, #tpu.memory_space<vmem>>, vector<16xf32>,
        %get3A_218 = arith.index_cast %add3A_201 : i32 to index
        %get3A_219 = arith.constant 16 : index
        %get3A_220 = tpu.vector_load %arg12[%get3A_218, %get3A_219] {strides = array<i32>} : memref<128x128xf32, #tpu.memory_space<vmem>>, vector<16xf32>,
        %mul3A_221 = arith.mulf %get3A_220, %gather3A : vector<16xf32>
        %get3A_222 = arith.constant 16 : index
        %get3A_223 = tpu.vector_load %arg15[%get3A_222] {strides = array<i32>} : memref<128xf32, #tpu.memory_space<vmem>>, vector<16xf32>,
        %add3A_224 = arith.addf %mul3A_221, %get3A_223 : vector<16xf32>
        %swap3A_225 = arith.index_cast %add3A_201 : i32 to index
        %swap3A_226 = arith.constant 16 : index
        %swap3A_227 = tpu.vector_load %arg12[%swap3A_225, %swap3A_226] {strides = array<i32>} : memref<128x128xf32, #tpu.memory_space<vmem>>, vector<16xf32>,
        tpu.vector_store %arg12[%swap3A_225, %swap3A_226], %add3A_224 {strides = array<i32>} : memref<128x128xf32, #tpu.memory_space<vmem>>, vector<16xf32>,
        %get3A_228 = arith.index_cast %add3A_201 : i32 to index
        %get3A_229 = arith.constant 32 : index
        %get3A_230 = tpu.vector_load %arg12[%get3A_228, %get3A_229] {strides = array<i32>} : memref<128x128xf32, #tpu.memory_space<vmem>>, vector<16xf32>,
        %mul3A_231 = arith.mulf %get3A_230, %gather3A : vector<16xf32>
        %get3A_232 = arith.constant 32 : index
        %get3A_233 = tpu.vector_load %arg15[%get3A_232] {strides = array<i32>} : memref<128xf32, #tpu.memory_space<vmem>>, vector<16xf32>,
        %add3A_234 = arith.addf %mul3A_231, %get3A_233 : vector<16xf32>
        %swap3A_235 = arith.index_cast %add3A_201 : i32 to index
        %swap3A_236 = arith.constant 32 : index
        %swap3A_237 = tpu.vector_load %arg12[%swap3A_235, %swap3A_236] {strides = array<i32>} : memref<128x128xf32, #tpu.memory_space<vmem>>, vector<16xf32>,
        tpu.vector_store %arg12[%swap3A_235, %swap3A_236], %add3A_234 {strides = array<i32>} : memref<128x128xf32, #tpu.memory_space<vmem>>, vector<16xf32>,
        %get3A_238 = arith.index_cast %add3A_201 : i32 to index
        %get3A_239 = arith.constant 48 : index
        %get3A_240 = tpu.vector_load %arg12[%get3A_238, %get3A_239] {strides = array<i32>} : memref<128x128xf32, #tpu.memory_space<vmem>>, vector<16xf32>,
        %mul3A_241 = arith.mulf %get3A_240, %gather3A : vector<16xf32>
        %get3A_242 = arith.constant 48 : index
        %get3A_243 = tpu.vector_load %arg15[%get3A_242] {strides = array<i32>} : memref<128xf32, #tpu.memory_space<vmem>>, vector<16xf32>,
        %add3A_244 = arith.addf %mul3A_241, %get3A_243 : vector<16xf32>
        %swap3A_245 = arith.index_cast %add3A_201 : i32 to index
        %swap3A_246 = arith.constant 48 : index
        %swap3A_247 = tpu.vector_load %arg12[%swap3A_245, %swap3A_246] {strides = array<i32>} : memref<128x128xf32, #tpu.memory_space<vmem>>, vector<16xf32>,
        tpu.vector_store %arg12[%swap3A_245, %swap3A_246], %add3A_244 {strides = array<i32>} : memref<128x128xf32, #tpu.memory_space<vmem>>, vector<16xf32>,
        %get3A_248 = arith.index_cast %add3A_201 : i32 to index
        %get3A_249 = arith.constant 64 : index
        %get3A_250 = tpu.vector_load %arg12[%get3A_248, %get3A_249] {strides = array<i32>} : memref<128x128xf32, #tpu.memory_space<vmem>>, vector<16xf32>,
        %mul3A_251 = arith.mulf %get3A_250, %gather3A : vector<16xf32>
        %get3A_252 = arith.constant 64 : index
        %get3A_253 = tpu.vector_load %arg15[%get3A_252] {strides = array<i32>} : memref<128xf32, #tpu.memory_space<vmem>>, vector<16xf32>,
        %add3A_254 = arith.addf %mul3A_251, %get3A_253 : vector<16xf32>
        %swap3A_255 = arith.index_cast %add3A_201 : i32 to index
        %swap3A_256 = arith.constant 64 : index
        %swap3A_257 = tpu.vector_load %arg12[%swap3A_255, %swap3A_256] {strides = array<i32>} : memref<128x128xf32, #tpu.memory_space<vmem>>, vector<16xf32>,
        tpu.vector_store %arg12[%swap3A_255, %swap3A_256], %add3A_254 {strides = array<i32>} : memref<128x128xf32, #tpu.memory_space<vmem>>, vector<16xf32>,
        %get3A_258 = arith.index_cast %add3A_201 : i32 to index
        %get3A_259 = arith.constant 80 : index
        %get3A_260 = tpu.vector_load %arg12[%get3A_258, %get3A_259] {strides = array<i32>} : memref<128x128xf32, #tpu.memory_space<vmem>>, vector<16xf32>,
        %mul3A_261 = arith.mulf %get3A_260, %gather3A : vector<16xf32>
        %get3A_262 = arith.constant 80 : index
        %get3A_263 = tpu.vector_load %arg15[%get3A_262] {strides = array<i32>} : memref<128xf32, #tpu.memory_space<vmem>>, vector<16xf32>,
        %add3A_264 = arith.addf %mul3A_261, %get3A_263 : vector<16xf32>
        %swap3A_265 = arith.index_cast %add3A_201 : i32 to index
        %swap3A_266 = arith.constant 80 : index
        %swap3A_267 = tpu.vector_load %arg12[%swap3A_265, %swap3A_266] {strides = array<i32>} : memref<128x128xf32, #tpu.memory_space<vmem>>, vector<16xf32>,
        tpu.vector_store %arg12[%swap3A_265, %swap3A_266], %add3A_264 {strides = array<i32>} : memref<128x128xf32, #tpu.memory_space<vmem>>, vector<16xf32>,
        %get3A_268 = arith.index_cast %add3A_201 : i32 to index
        %get3A_269 = arith.constant 96 : index
        %get3A_270 = tpu.vector_load %arg12[%get3A_268, %get3A_269] {strides = array<i32>} : memref<128x128xf32, #tpu.memory_space<vmem>>, vector<16xf32>,
        %mul3A_271 = arith.mulf %get3A_270, %gather3A : vector<16xf32>
        %get3A_272 = arith.constant 96 : index
        %get3A_273 = tpu.vector_load %arg15[%get3A_272] {strides = array<i32>} : memref<128xf32, #tpu.memory_space<vmem>>, vector<16xf32>,
        %add3A_274 = arith.addf %mul3A_271, %get3A_273 : vector<16xf32>
        %swap3A_275 = arith.index_cast %add3A_201 : i32 to index
        %swap3A_276 = arith.constant 96 : index
        %swap3A_277 = tpu.vector_load %arg12[%swap3A_275, %swap3A_276] {strides = array<i32>} : memref<128x128xf32, #tpu.memory_space<vmem>>, vector<16xf32>,
        tpu.vector_store %arg12[%swap3A_275, %swap3A_276], %add3A_274 {strides = array<i32>} : memref<128x128xf32, #tpu.memory_space<vmem>>, vector<16xf32>,
        %get3A_278 = arith.index_cast %add3A_201 : i32 to index
        %get3A_279 = arith.constant 112 : index
        %get3A_280 = tpu.vector_load %arg12[%get3A_278, %get3A_279] {strides = array<i32>} : memref<128x128xf32, #tpu.memory_space<vmem>>, vector<16xf32>,
        %mul3A_281 = arith.mulf %get3A_280, %gather3A : vector<16xf32>
        %get3A_282 = arith.constant 112 : index
        %get3A_283 = tpu.vector_load %arg15[%get3A_282] {strides = array<i32>} : memref<128xf32, #tpu.memory_space<vmem>>, vector<16xf32>,
        %add3A_284 = arith.addf %mul3A_281, %get3A_283 : vector<16xf32>
        %swap3A_285 = arith.index_cast %add3A_201 : i32 to index
        %swap3A_286 = arith.constant 112 : index
        %swap3A_287 = tpu.vector_load %arg12[%swap3A_285, %swap3A_286] {strides = array<i32>} : memref<128x128xf32, #tpu.memory_space<vmem>>, vector<16xf32>,
        tpu.vector_store %arg12[%swap3A_285, %swap3A_286], %add3A_284 {strides = array<i32>} : memref<128x128xf32, #tpu.memory_space<vmem>>, vector<16xf32>,
        %mul3A_288 = arith.constant 4 : i32
        %mul3A_289 = arith.muli %scan3A_197, %mul3A_288 : i32
        %add3A_290 = arith.constant 1 : i32
        %add3A_291 = arith.addi %mul3A_289, %add3A_290 : i32
        %broadcast_in_dim3A_292 = arith.constant 0 : i32
        %broadcast_in_dim3A_293 = vector.broadcast %broadcast_in_dim3A_292 : i32 to vector<16xi32>
        %mul3A_294 = arith.constant 128 : i32
        %mul3A_295 = arith.muli %scan3A_184, %mul3A_294 : i32
        %add3A_296 = arith.addi %mul3A_295, %add3A_291 : i32
        %add3A_297 = vector.broadcast %add3A_296 : i32 to vector<16xi32>
        %add3A_298 = arith.addi %broadcast_in_dim3A_293, %add3A_297 : vector<16xi32>
        %gather3A_299 = tpu.vector_load_idx %arg14[%add3A_298] : memref<640xf32, #tpu.memory_space<vmem>>[vector<16xi32>], vector<16xf32>,
        %get3A_300 = arith.index_cast %add3A_291 : i32 to index
        %get3A_301 = arith.constant 0 : index
        %get3A_302 = tpu.vector_load %arg12[%get3A_300, %get3A_301] {strides = array<i32>} : memref<128x128xf32, #tpu.memory_space<vmem>>, vector<16xf32>,
        %mul3A_303 = arith.mulf %get3A_302, %gather3A_299 : vector<16xf32>
        %get3A_304 = arith.constant 0 : index
        %get3A_305 = tpu.vector_load %arg15[%get3A_304] {strides = array<i32>} : memref<128xf32, #tpu.memory_space<vmem>>, vector<16xf32>,
        %add3A_306 = arith.addf %mul3A_303, %get3A_305 : vector<16xf32>
        %swap3A_307 = arith.index_cast %add3A_291 : i32 to index
        %swap3A_308 = arith.constant 0 : index
        %swap3A_309 = tpu.vector_load %arg12[%swap3A_307, %swap3A_308] {strides = array<i32>} : memref<128x128xf32, #tpu.memory_space<vmem>>, vector<16xf32>,
        tpu.vector_store %arg12[%swap3A_307, %swap3A_308], %add3A_306 {strides = array<i32>} : memref<128x128xf32, #tpu.memory_space<vmem>>, vector<16xf32>,
        %get3A_310 = arith.index_cast %add3A_291 : i32 to index
        %get3A_311 = arith.constant 16 : index
        %get3A_312 = tpu.vector_load %arg12[%get3A_310, %get3A_311] {strides = array<i32>} : memref<128x128xf32, #tpu.memory_space<vmem>>, vector<16xf32>,
        %mul3A_313 = arith.mulf %get3A_312, %gather3A_299 : vector<16xf32>
        %get3A_314 = arith.constant 16 : index
        %get3A_315 = tpu.vector_load %arg15[%get3A_314] {strides = array<i32>} : memref<128xf32, #tpu.memory_space<vmem>>, vector<16xf32>,
        %add3A_316 = arith.addf %mul3A_313, %get3A_315 : vector<16xf32>
        %swap3A_317 = arith.index_cast %add3A_291 : i32 to index
        %swap3A_318 = arith.constant 16 : index
        %swap3A_319 = tpu.vector_load %arg12[%swap3A_317, %swap3A_318] {strides = array<i32>} : memref<128x128xf32, #tpu.memory_space<vmem>>, vector<16xf32>,
        tpu.vector_store %arg12[%swap3A_317, %swap3A_318], %add3A_316 {strides = array<i32>} : memref<128x128xf32, #tpu.memory_space<vmem>>, vector<16xf32>,
        %get3A_320 = arith.index_cast %add3A_291 : i32 to index
        %get3A_321 = arith.constant 32 : index
        %get3A_322 = tpu.vector_load %arg12[%get3A_320, %get3A_321] {strides = array<i32>} : memref<128x128xf32, #tpu.memory_space<vmem>>, vector<16xf32>,
        %mul3A_323 = arith.mulf %get3A_322, %gather3A_299 : vector<16xf32>
        %get3A_324 = arith.constant 32 : index
        %get3A_325 = tpu.vector_load %arg15[%get3A_324] {strides = array<i32>} : memref<128xf32, #tpu.memory_space<vmem>>, vector<16xf32>,
        %add3A_326 = arith.addf %mul3A_323, %get3A_325 : vector<16xf32>
        %swap3A_327 = arith.index_cast %add3A_291 : i32 to index
        %swap3A_328 = arith.constant 32 : index
        %swap3A_329 = tpu.vector_load %arg12[%swap3A_327, %swap3A_328] {strides = array<i32>} : memref<128x128xf32, #tpu.memory_space<vmem>>, vector<16xf32>,
        tpu.vector_store %arg12[%swap3A_327, %swap3A_328], %add3A_326 {strides = array<i32>} : memref<128x128xf32, #tpu.memory_space<vmem>>, vector<16xf32>,
        %get3A_330 = arith.index_cast %add3A_291 : i32 to index
        %get3A_331 = arith.constant 48 : index
        %get3A_332 = tpu.vector_load %arg12[%get3A_330, %get3A_331] {strides = array<i32>} : memref<128x128xf32, #tpu.memory_space<vmem>>, vector<16xf32>,
        %mul3A_333 = arith.mulf %get3A_332, %gather3A_299 : vector<16xf32>
        %get3A_334 = arith.constant 48 : index
        %get3A_335 = tpu.vector_load %arg15[%get3A_334] {strides = array<i32>} : memref<128xf32, #tpu.memory_space<vmem>>, vector<16xf32>,
        %add3A_336 = arith.addf %mul3A_333, %get3A_335 : vector<16xf32>
        %swap3A_337 = arith.index_cast %add3A_291 : i32 to index
        %swap3A_338 = arith.constant 48 : index
        %swap3A_339 = tpu.vector_load %arg12[%swap3A_337, %swap3A_338] {strides = array<i32>} : memref<128x128xf32, #tpu.memory_space<vmem>>, vector<16xf32>,
        tpu.vector_store %arg12[%swap3A_337, %swap3A_338], %add3A_336 {strides = array<i32>} : memref<128x128xf32, #tpu.memory_space<vmem>>, vector<16xf32>,
        %get3A_340 = arith.index_cast %add3A_291 : i32 to index
        %get3A_341 = arith.constant 64 : index
        %get3A_342 = tpu.vector_load %arg12[%get3A_340, %get3A_341] {strides = array<i32>} : memref<128x128xf32, #tpu.memory_space<vmem>>, vector<16xf32>,
        %mul3A_343 = arith.mulf %get3A_342, %gather3A_299 : vector<16xf32>
        %get3A_344 = arith.constant 64 : index
        %get3A_345 = tpu.vector_load %arg15[%get3A_344] {strides = array<i32>} : memref<128xf32, #tpu.memory_space<vmem>>, vector<16xf32>,
        %add3A_346 = arith.addf %mul3A_343, %get3A_345 : vector<16xf32>
        %swap3A_347 = arith.index_cast %add3A_291 : i32 to index
        %swap3A_348 = arith.constant 64 : index
        %swap3A_349 = tpu.vector_load %arg12[%swap3A_347, %swap3A_348] {strides = array<i32>} : memref<128x128xf32, #tpu.memory_space<vmem>>, vector<16xf32>,
        tpu.vector_store %arg12[%swap3A_347, %swap3A_348], %add3A_346 {strides = array<i32>} : memref<128x128xf32, #tpu.memory_space<vmem>>, vector<16xf32>,
        %get3A_350 = arith.index_cast %add3A_291 : i32 to index
        %get3A_351 = arith.constant 80 : index
        %get3A_352 = tpu.vector_load %arg12[%get3A_350, %get3A_351] {strides = array<i32>} : memref<128x128xf32, #tpu.memory_space<vmem>>, vector<16xf32>,
        %mul3A_353 = arith.mulf %get3A_352, %gather3A_299 : vector<16xf32>
        %get3A_354 = arith.constant 80 : index
        %get3A_355 = tpu.vector_load %arg15[%get3A_354] {strides = array<i32>} : memref<128xf32, #tpu.memory_space<vmem>>, vector<16xf32>,
        %add3A_356 = arith.addf %mul3A_353, %get3A_355 : vector<16xf32>
        %swap3A_357 = arith.index_cast %add3A_291 : i32 to index
        %swap3A_358 = arith.constant 80 : index
        %swap3A_359 = tpu.vector_load %arg12[%swap3A_357, %swap3A_358] {strides = array<i32>} : memref<128x128xf32, #tpu.memory_space<vmem>>, vector<16xf32>,
        tpu.vector_store %arg12[%swap3A_357, %swap3A_358], %add3A_356 {strides = array<i32>} : memref<128x128xf32, #tpu.memory_space<vmem>>, vector<16xf32>,
        %get3A_360 = arith.index_cast %add3A_291 : i32 to index
        %get3A_361 = arith.constant 96 : index
        %get3A_362 = tpu.vector_load %arg12[%get3A_360, %get3A_361] {strides = array<i32>} : memref<128x128xf32, #tpu.memory_space<vmem>>, vector<16xf32>,
        %mul3A_363 = arith.mulf %get3A_362, %gather3A_299 : vector<16xf32>
        %get3A_364 = arith.constant 96 : index
        %get3A_365 = tpu.vector_load %arg15[%get3A_364] {strides = array<i32>} : memref<128xf32, #tpu.memory_space<vmem>>, vector<16xf32>,
        %add3A_366 = arith.addf %mul3A_363, %get3A_365 : vector<16xf32>
        %swap3A_367 = arith.index_cast %add3A_291 : i32 to index
        %swap3A_368 = arith.constant 96 : index
        %swap3A_369 = tpu.vector_load %arg12[%swap3A_367, %swap3A_368] {strides = array<i32>} : memref<128x128xf32, #tpu.memory_space<vmem>>, vector<16xf32>,
        tpu.vector_store %arg12[%swap3A_367, %swap3A_368], %add3A_366 {strides = array<i32>} : memref<128x128xf32, #tpu.memory_space<vmem>>, vector<16xf32>,
        %get3A_370 = arith.index_cast %add3A_291 : i32 to index
        %get3A_371 = arith.constant 112 : index
        %get3A_372 = tpu.vector_load %arg12[%get3A_370, %get3A_371] {strides = array<i32>} : memref<128x128xf32, #tpu.memory_space<vmem>>, vector<16xf32>,
        %mul3A_373 = arith.mulf %get3A_372, %gather3A_299 : vector<16xf32>
        %get3A_374 = arith.constant 112 : index
        %get3A_375 = tpu.vector_load %arg15[%get3A_374] {strides = array<i32>} : memref<128xf32, #tpu.memory_space<vmem>>, vector<16xf32>,
        %add3A_376 = arith.addf %mul3A_373, %get3A_375 : vector<16xf32>
        %swap3A_377 = arith.index_cast %add3A_291 : i32 to index
        %swap3A_378 = arith.constant 112 : index
        %swap3A_379 = tpu.vector_load %arg12[%swap3A_377, %swap3A_378] {strides = array<i32>} : memref<128x128xf32, #tpu.memory_space<vmem>>, vector<16xf32>,
        tpu.vector_store %arg12[%swap3A_377, %swap3A_378], %add3A_376 {strides = array<i32>} : memref<128x128xf32, #tpu.memory_space<vmem>>, vector<16xf32>,
        %mul3A_380 = arith.constant 4 : i32
        %mul3A_381 = arith.muli %scan3A_197, %mul3A_380 : i32
        %add3A_382 = arith.constant 2 : i32
        %add3A_383 = arith.addi %mul3A_381, %add3A_382 : i32
        %broadcast_in_dim3A_384 = arith.constant 0 : i32
        %broadcast_in_dim3A_385 = vector.broadcast %broadcast_in_dim3A_384 : i32 to vector<16xi32>
        %mul3A_386 = arith.constant 128 : i32
        %mul3A_387 = arith.muli %scan3A_184, %mul3A_386 : i32
        %add3A_388 = arith.addi %mul3A_387, %add3A_383 : i32
        %add3A_389 = vector.broadcast %add3A_388 : i32 to vector<16xi32>
        %add3A_390 = arith.addi %broadcast_in_dim3A_385, %add3A_389 : vector<16xi32>
        %gather3A_391 = tpu.vector_load_idx %arg14[%add3A_390] : memref<640xf32, #tpu.memory_space<vmem>>[vector<16xi32>], vector<16xf32>,
        %get3A_392 = arith.index_cast %add3A_383 : i32 to index
        %get3A_393 = arith.constant 0 : index
        %get3A_394 = tpu.vector_load %arg12[%get3A_392, %get3A_393] {strides = array<i32>} : memref<128x128xf32, #tpu.memory_space<vmem>>, vector<16xf32>,
        %mul3A_395 = arith.mulf %get3A_394, %gather3A_391 : vector<16xf32>
        %get3A_396 = arith.constant 0 : index
        %get3A_397 = tpu.vector_load %arg15[%get3A_396] {strides = array<i32>} : memref<128xf32, #tpu.memory_space<vmem>>, vector<16xf32>,
        %add3A_398 = arith.addf %mul3A_395, %get3A_397 : vector<16xf32>
        %swap3A_399 = arith.index_cast %add3A_383 : i32 to index
        %swap3A_400 = arith.constant 0 : index
        %swap3A_401 = tpu.vector_load %arg12[%swap3A_399, %swap3A_400] {strides = array<i32>} : memref<128x128xf32, #tpu.memory_space<vmem>>, vector<16xf32>,
        tpu.vector_store %arg12[%swap3A_399, %swap3A_400], %add3A_398 {strides = array<i32>} : memref<128x128xf32, #tpu.memory_space<vmem>>, vector<16xf32>,
        %get3A_402 = arith.index_cast %add3A_383 : i32 to index
        %get3A_403 = arith.constant 16 : index
        %get3A_404 = tpu.vector_load %arg12[%get3A_402, %get3A_403] {strides = array<i32>} : memref<128x128xf32, #tpu.memory_space<vmem>>, vector<16xf32>,
        %mul3A_405 = arith.mulf %get3A_404, %gather3A_391 : vector<16xf32>
        %get3A_406 = arith.constant 16 : index
        %get3A_407 = tpu.vector_load %arg15[%get3A_406] {strides = array<i32>} : memref<128xf32, #tpu.memory_space<vmem>>, vector<16xf32>,
        %add3A_408 = arith.addf %mul3A_405, %get3A_407 : vector<16xf32>
        %swap3A_409 = arith.index_cast %add3A_383 : i32 to index
        %swap3A_410 = arith.constant 16 : index
        %swap3A_411 = tpu.vector_load %arg12[%swap3A_409, %swap3A_410] {strides = array<i32>} : memref<128x128xf32, #tpu.memory_space<vmem>>, vector<16xf32>,
        tpu.vector_store %arg12[%swap3A_409, %swap3A_410], %add3A_408 {strides = array<i32>} : memref<128x128xf32, #tpu.memory_space<vmem>>, vector<16xf32>,
        %get3A_412 = arith.index_cast %add3A_383 : i32 to index
        %get3A_413 = arith.constant 32 : index
        %get3A_414 = tpu.vector_load %arg12[%get3A_412, %get3A_413] {strides = array<i32>} : memref<128x128xf32, #tpu.memory_space<vmem>>, vector<16xf32>,
        %mul3A_415 = arith.mulf %get3A_414, %gather3A_391 : vector<16xf32>
        %get3A_416 = arith.constant 32 : index
        %get3A_417 = tpu.vector_load %arg15[%get3A_416] {strides = array<i32>} : memref<128xf32, #tpu.memory_space<vmem>>, vector<16xf32>,
        %add3A_418 = arith.addf %mul3A_415, %get3A_417 : vector<16xf32>
        %swap3A_419 = arith.index_cast %add3A_383 : i32 to index
        %swap3A_420 = arith.constant 32 : index
        %swap3A_421 = tpu.vector_load %arg12[%swap3A_419, %swap3A_420] {strides = array<i32>} : memref<128x128xf32, #tpu.memory_space<vmem>>, vector<16xf32>,
        tpu.vector_store %arg12[%swap3A_419, %swap3A_420], %add3A_418 {strides = array<i32>} : memref<128x128xf32, #tpu.memory_space<vmem>>, vector<16xf32>,
        %get3A_422 = arith.index_cast %add3A_383 : i32 to index
        %get3A_423 = arith.constant 48 : index
        %get3A_424 = tpu.vector_load %arg12[%get3A_422, %get3A_423] {strides = array<i32>} : memref<128x128xf32, #tpu.memory_space<vmem>>, vector<16xf32>,
        %mul3A_425 = arith.mulf %get3A_424, %gather3A_391 : vector<16xf32>
        %get3A_426 = arith.constant 48 : index
        %get3A_427 = tpu.vector_load %arg15[%get3A_426] {strides = array<i32>} : memref<128xf32, #tpu.memory_space<vmem>>, vector<16xf32>,
        %add3A_428 = arith.addf %mul3A_425, %get3A_427 : vector<16xf32>
        %swap3A_429 = arith.index_cast %add3A_383 : i32 to index
        %swap3A_430 = arith.constant 48 : index
        %swap3A_431 = tpu.vector_load %arg12[%swap3A_429, %swap3A_430] {strides = array<i32>} : memref<128x128xf32, #tpu.memory_space<vmem>>, vector<16xf32>,
        tpu.vector_store %arg12[%swap3A_429, %swap3A_430], %add3A_428 {strides = array<i32>} : memref<128x128xf32, #tpu.memory_space<vmem>>, vector<16xf32>,
        %get3A_432 = arith.index_cast %add3A_383 : i32 to index
        %get3A_433 = arith.constant 64 : index
        %get3A_434 = tpu.vector_load %arg12[%get3A_432, %get3A_433] {strides = array<i32>} : memref<128x128xf32, #tpu.memory_space<vmem>>, vector<16xf32>,
        %mul3A_435 = arith.mulf %get3A_434, %gather3A_391 : vector<16xf32>
        %get3A_436 = arith.constant 64 : index
        %get3A_437 = tpu.vector_load %arg15[%get3A_436] {strides = array<i32>} : memref<128xf32, #tpu.memory_space<vmem>>, vector<16xf32>,
        %add3A_438 = arith.addf %mul3A_435, %get3A_437 : vector<16xf32>
        %swap3A_439 = arith.index_cast %add3A_383 : i32 to index
        %swap3A_440 = arith.constant 64 : index
        %swap3A_441 = tpu.vector_load %arg12[%swap3A_439, %swap3A_440] {strides = array<i32>} : memref<128x128xf32, #tpu.memory_space<vmem>>, vector<16xf32>,
        tpu.vector_store %arg12[%swap3A_439, %swap3A_440], %add3A_438 {strides = array<i32>} : memref<128x128xf32, #tpu.memory_space<vmem>>, vector<16xf32>,
        %get3A_442 = arith.index_cast %add3A_383 : i32 to index
        %get3A_443 = arith.constant 80 : index
        %get3A_444 = tpu.vector_load %arg12[%get3A_442, %get3A_443] {strides = array<i32>} : memref<128x128xf32, #tpu.memory_space<vmem>>, vector<16xf32>,
        %mul3A_445 = arith.mulf %get3A_444, %gather3A_391 : vector<16xf32>
        %get3A_446 = arith.constant 80 : index
        %get3A_447 = tpu.vector_load %arg15[%get3A_446] {strides = array<i32>} : memref<128xf32, #tpu.memory_space<vmem>>, vector<16xf32>,
        %add3A_448 = arith.addf %mul3A_445, %get3A_447 : vector<16xf32>
        %swap3A_449 = arith.index_cast %add3A_383 : i32 to index
        %swap3A_450 = arith.constant 80 : index
        %swap3A_451 = tpu.vector_load %arg12[%swap3A_449, %swap3A_450] {strides = array<i32>} : memref<128x128xf32, #tpu.memory_space<vmem>>, vector<16xf32>,
        tpu.vector_store %arg12[%swap3A_449, %swap3A_450], %add3A_448 {strides = array<i32>} : memref<128x128xf32, #tpu.memory_space<vmem>>, vector<16xf32>,
        %get3A_452 = arith.index_cast %add3A_383 : i32 to index
        %get3A_453 = arith.constant 96 : index
        %get3A_454 = tpu.vector_load %arg12[%get3A_452, %get3A_453] {strides = array<i32>} : memref<128x128xf32, #tpu.memory_space<vmem>>, vector<16xf32>,
        %mul3A_455 = arith.mulf %get3A_454, %gather3A_391 : vector<16xf32>
        %get3A_456 = arith.constant 96 : index
        %get3A_457 = tpu.vector_load %arg15[%get3A_456] {strides = array<i32>} : memref<128xf32, #tpu.memory_space<vmem>>, vector<16xf32>,
        %add3A_458 = arith.addf %mul3A_455, %get3A_457 : vector<16xf32>
        %swap3A_459 = arith.index_cast %add3A_383 : i32 to index
        %swap3A_460 = arith.constant 96 : index
        %swap3A_461 = tpu.vector_load %arg12[%swap3A_459, %swap3A_460] {strides = array<i32>} : memref<128x128xf32, #tpu.memory_space<vmem>>, vector<16xf32>,
        tpu.vector_store %arg12[%swap3A_459, %swap3A_460], %add3A_458 {strides = array<i32>} : memref<128x128xf32, #tpu.memory_space<vmem>>, vector<16xf32>,
        %get3A_462 = arith.index_cast %add3A_383 : i32 to index
        %get3A_463 = arith.constant 112 : index
        %get3A_464 = tpu.vector_load %arg12[%get3A_462, %get3A_463] {strides = array<i32>} : memref<128x128xf32, #tpu.memory_space<vmem>>, vector<16xf32>,
        %mul3A_465 = arith.mulf %get3A_464, %gather3A_391 : vector<16xf32>
        %get3A_466 = arith.constant 112 : index
        %get3A_467 = tpu.vector_load %arg15[%get3A_466] {strides = array<i32>} : memref<128xf32, #tpu.memory_space<vmem>>, vector<16xf32>,
        %add3A_468 = arith.addf %mul3A_465, %get3A_467 : vector<16xf32>
        %swap3A_469 = arith.index_cast %add3A_383 : i32 to index
        %swap3A_470 = arith.constant 112 : index
        %swap3A_471 = tpu.vector_load %arg12[%swap3A_469, %swap3A_470] {strides = array<i32>} : memref<128x128xf32, #tpu.memory_space<vmem>>, vector<16xf32>,
        tpu.vector_store %arg12[%swap3A_469, %swap3A_470], %add3A_468 {strides = array<i32>} : memref<128x128xf32, #tpu.memory_space<vmem>>, vector<16xf32>,
        %mul3A_472 = arith.constant 4 : i32
        %mul3A_473 = arith.muli %scan3A_197, %mul3A_472 : i32
        %add3A_474 = arith.constant 3 : i32
        %add3A_475 = arith.addi %mul3A_473, %add3A_474 : i32
        %broadcast_in_dim3A_476 = arith.constant 0 : i32
        %broadcast_in_dim3A_477 = vector.broadcast %broadcast_in_dim3A_476 : i32 to vector<16xi32>
        %mul3A_478 = arith.constant 128 : i32
        %mul3A_479 = arith.muli %scan3A_184, %mul3A_478 : i32
        %add3A_480 = arith.addi %mul3A_479, %add3A_475 : i32
        %add3A_481 = vector.broadcast %add3A_480 : i32 to vector<16xi32>
        %add3A_482 = arith.addi %broadcast_in_dim3A_477, %add3A_481 : vector<16xi32>
        %gather3A_483 = tpu.vector_load_idx %arg14[%add3A_482] : memref<640xf32, #tpu.memory_space<vmem>>[vector<16xi32>], vector<16xf32>,
        %get3A_484 = arith.index_cast %add3A_475 : i32 to index
        %get3A_485 = arith.constant 0 : index
        %get3A_486 = tpu.vector_load %arg12[%get3A_484, %get3A_485] {strides = array<i32>} : memref<128x128xf32, #tpu.memory_space<vmem>>, vector<16xf32>,
        %mul3A_487 = arith.mulf %get3A_486, %gather3A_483 : vector<16xf32>
        %get3A_488 = arith.constant 0 : index
        %get3A_489 = tpu.vector_load %arg15[%get3A_488] {strides = array<i32>} : memref<128xf32, #tpu.memory_space<vmem>>, vector<16xf32>,
        %add3A_490 = arith.addf %mul3A_487, %get3A_489 : vector<16xf32>
        %swap3A_491 = arith.index_cast %add3A_475 : i32 to index
        %swap3A_492 = arith.constant 0 : index
        %swap3A_493 = tpu.vector_load %arg12[%swap3A_491, %swap3A_492] {strides = array<i32>} : memref<128x128xf32, #tpu.memory_space<vmem>>, vector<16xf32>,
        tpu.vector_store %arg12[%swap3A_491, %swap3A_492], %add3A_490 {strides = array<i32>} : memref<128x128xf32, #tpu.memory_space<vmem>>, vector<16xf32>,
        %get3A_494 = arith.index_cast %add3A_475 : i32 to index
        %get3A_495 = arith.constant 16 : index
        %get3A_496 = tpu.vector_load %arg12[%get3A_494, %get3A_495] {strides = array<i32>} : memref<128x128xf32, #tpu.memory_space<vmem>>, vector<16xf32>,
        %mul3A_497 = arith.mulf %get3A_496, %gather3A_483 : vector<16xf32>
        %get3A_498 = arith.constant 16 : index
        %get3A_499 = tpu.vector_load %arg15[%get3A_498] {strides = array<i32>} : memref<128xf32, #tpu.memory_space<vmem>>, vector<16xf32>,
        %add3A_500 = arith.addf %mul3A_497, %get3A_499 : vector<16xf32>
        %swap3A_501 = arith.index_cast %add3A_475 : i32 to index
        %swap3A_502 = arith.constant 16 : index
        %swap3A_503 = tpu.vector_load %arg12[%swap3A_501, %swap3A_502] {strides = array<i32>} : memref<128x128xf32, #tpu.memory_space<vmem>>, vector<16xf32>,
        tpu.vector_store %arg12[%swap3A_501, %swap3A_502], %add3A_500 {strides = array<i32>} : memref<128x128xf32, #tpu.memory_space<vmem>>, vector<16xf32>,
        %get3A_504 = arith.index_cast %add3A_475 : i32 to index
        %get3A_505 = arith.constant 32 : index
        %get3A_506 = tpu.vector_load %arg12[%get3A_504, %get3A_505] {strides = array<i32>} : memref<128x128xf32, #tpu.memory_space<vmem>>, vector<16xf32>,
        %mul3A_507 = arith.mulf %get3A_506, %gather3A_483 : vector<16xf32>
        %get3A_508 = arith.constant 32 : index
        %get3A_509 = tpu.vector_load %arg15[%get3A_508] {strides = array<i32>} : memref<128xf32, #tpu.memory_space<vmem>>, vector<16xf32>,
        %add3A_510 = arith.addf %mul3A_507, %get3A_509 : vector<16xf32>
        %swap3A_511 = arith.index_cast %add3A_475 : i32 to index
        %swap3A_512 = arith.constant 32 : index
        %swap3A_513 = tpu.vector_load %arg12[%swap3A_511, %swap3A_512] {strides = array<i32>} : memref<128x128xf32, #tpu.memory_space<vmem>>, vector<16xf32>,
        tpu.vector_store %arg12[%swap3A_511, %swap3A_512], %add3A_510 {strides = array<i32>} : memref<128x128xf32, #tpu.memory_space<vmem>>, vector<16xf32>,
        %get3A_514 = arith.index_cast %add3A_475 : i32 to index
        %get3A_515 = arith.constant 48 : index
        %get3A_516 = tpu.vector_load %arg12[%get3A_514, %get3A_515] {strides = array<i32>} : memref<128x128xf32, #tpu.memory_space<vmem>>, vector<16xf32>,
        %mul3A_517 = arith.mulf %get3A_516, %gather3A_483 : vector<16xf32>
        %get3A_518 = arith.constant 48 : index
        %get3A_519 = tpu.vector_load %arg15[%get3A_518] {strides = array<i32>} : memref<128xf32, #tpu.memory_space<vmem>>, vector<16xf32>,
        %add3A_520 = arith.addf %mul3A_517, %get3A_519 : vector<16xf32>
        %swap3A_521 = arith.index_cast %add3A_475 : i32 to index
        %swap3A_522 = arith.constant 48 : index
        %swap3A_523 = tpu.vector_load %arg12[%swap3A_521, %swap3A_522] {strides = array<i32>} : memref<128x128xf32, #tpu.memory_space<vmem>>, vector<16xf32>,
        tpu.vector_store %arg12[%swap3A_521, %swap3A_522], %add3A_520 {strides = array<i32>} : memref<128x128xf32, #tpu.memory_space<vmem>>, vector<16xf32>,
        %get3A_524 = arith.index_cast %add3A_475 : i32 to index
        %get3A_525 = arith.constant 64 : index
        %get3A_526 = tpu.vector_load %arg12[%get3A_524, %get3A_525] {strides = array<i32>} : memref<128x128xf32, #tpu.memory_space<vmem>>, vector<16xf32>,
        %mul3A_527 = arith.mulf %get3A_526, %gather3A_483 : vector<16xf32>
        %get3A_528 = arith.constant 64 : index
        %get3A_529 = tpu.vector_load %arg15[%get3A_528] {strides = array<i32>} : memref<128xf32, #tpu.memory_space<vmem>>, vector<16xf32>,
        %add3A_530 = arith.addf %mul3A_527, %get3A_529 : vector<16xf32>
        %swap3A_531 = arith.index_cast %add3A_475 : i32 to index
        %swap3A_532 = arith.constant 64 : index
        %swap3A_533 = tpu.vector_load %arg12[%swap3A_531, %swap3A_532] {strides = array<i32>} : memref<128x128xf32, #tpu.memory_space<vmem>>, vector<16xf32>,
        tpu.vector_store %arg12[%swap3A_531, %swap3A_532], %add3A_530 {strides = array<i32>} : memref<128x128xf32, #tpu.memory_space<vmem>>, vector<16xf32>,
        %get3A_534 = arith.index_cast %add3A_475 : i32 to index
        %get3A_535 = arith.constant 80 : index
        %get3A_536 = tpu.vector_load %arg12[%get3A_534, %get3A_535] {strides = array<i32>} : memref<128x128xf32, #tpu.memory_space<vmem>>, vector<16xf32>,
        %mul3A_537 = arith.mulf %get3A_536, %gather3A_483 : vector<16xf32>
        %get3A_538 = arith.constant 80 : index
        %get3A_539 = tpu.vector_load %arg15[%get3A_538] {strides = array<i32>} : memref<128xf32, #tpu.memory_space<vmem>>, vector<16xf32>,
        %add3A_540 = arith.addf %mul3A_537, %get3A_539 : vector<16xf32>
        %swap3A_541 = arith.index_cast %add3A_475 : i32 to index
        %swap3A_542 = arith.constant 80 : index
        %swap3A_543 = tpu.vector_load %arg12[%swap3A_541, %swap3A_542] {strides = array<i32>} : memref<128x128xf32, #tpu.memory_space<vmem>>, vector<16xf32>,
        tpu.vector_store %arg12[%swap3A_541, %swap3A_542], %add3A_540 {strides = array<i32>} : memref<128x128xf32, #tpu.memory_space<vmem>>, vector<16xf32>,
        %get3A_544 = arith.index_cast %add3A_475 : i32 to index
        %get3A_545 = arith.constant 96 : index
        %get3A_546 = tpu.vector_load %arg12[%get3A_544, %get3A_545] {strides = array<i32>} : memref<128x128xf32, #tpu.memory_space<vmem>>, vector<16xf32>,
        %mul3A_547 = arith.mulf %get3A_546, %gather3A_483 : vector<16xf32>
        %get3A_548 = arith.constant 96 : index
        %get3A_549 = tpu.vector_load %arg15[%get3A_548] {strides = array<i32>} : memref<128xf32, #tpu.memory_space<vmem>>, vector<16xf32>,
        %add3A_550 = arith.addf %mul3A_547, %get3A_549 : vector<16xf32>
        %swap3A_551 = arith.index_cast %add3A_475 : i32 to index
        %swap3A_552 = arith.constant 96 : index
        %swap3A_553 = tpu.vector_load %arg12[%swap3A_551, %swap3A_552] {strides = array<i32>} : memref<128x128xf32, #tpu.memory_space<vmem>>, vector<16xf32>,
        tpu.vector_store %arg12[%swap3A_551, %swap3A_552], %add3A_550 {strides = array<i32>} : memref<128x128xf32, #tpu.memory_space<vmem>>, vector<16xf32>,
        %get3A_554 = arith.index_cast %add3A_475 : i32 to index
        %get3A_555 = arith.constant 112 : index
        %get3A_556 = tpu.vector_load %arg12[%get3A_554, %get3A_555] {strides = array<i32>} : memref<128x128xf32, #tpu.memory_space<vmem>>, vector<16xf32>,
        %mul3A_557 = arith.mulf %get3A_556, %gather3A_483 : vector<16xf32>
        %get3A_558 = arith.constant 112 : index
        %get3A_559 = tpu.vector_load %arg15[%get3A_558] {strides = array<i32>} : memref<128xf32, #tpu.memory_space<vmem>>, vector<16xf32>,
        %add3A_560 = arith.addf %mul3A_557, %get3A_559 : vector<16xf32>
        %swap3A_561 = arith.index_cast %add3A_475 : i32 to index
        %swap3A_562 = arith.constant 112 : index
        %swap3A_563 = tpu.vector_load %arg12[%swap3A_561, %swap3A_562] {strides = array<i32>} : memref<128x128xf32, #tpu.memory_space<vmem>>, vector<16xf32>,
        tpu.vector_store %arg12[%swap3A_561, %swap3A_562], %add3A_560 {strides = array<i32>} : memref<128x128xf32, #tpu.memory_space<vmem>>, vector<16xf32>,
      }
      %scan3A_194 = arith.constant 32 : i32
      %mul3A_195 = arith.constant 128 : i32
      %mul3A_196 = arith.muli %arg0, %mul3A_195 : i32
      "tpu.region"() ({
        %run_scoped3A_197 = tpu.sem_alloc : memref<!tpu.dma_semaphore, #tpu.memory_space<semaphore_mem>>
        %dma_start3A_198 = tpu.memref_slice %arg6[%add3A, %mul3A_196] : memref<10240x256xf32, #tpu.memory_space<hbm>> -> memref<128x128xf32, #tpu.memory_space<hbm>>
        %dma_start3A_199 = tpu.memref_slice %arg6[%add3A, %mul3A_196] : memref<10240x256xf32, #tpu.memory_space<hbm>> -> memref<128x128xf32, #tpu.memory_space<hbm>>
        tpu.enqueue_dma source(%arg12 : memref<128x128xf32, #tpu.memory_space<vmem>>) target(%dma_start3A_199 : memref<128x128xf32, #tpu.memory_space<hbm>>) target_semaphore(%run_scoped3A_197 : memref<!tpu.dma_semaphore, #tpu.memory_space<semaphore_mem>>)
        %dma_wait3A_200 = tpu.memref_slice %arg6[%add3A, %mul3A_196] : memref<10240x256xf32, #tpu.memory_space<hbm>> -> memref<128x128xf32, #tpu.memory_space<hbm>>
        %dma_wait3A_201 = tpu.memref_slice %arg6[%add3A, %mul3A_196] : memref<10240x256xf32, #tpu.memory_space<hbm>> -> memref<128x128xf32, #tpu.memory_space<hbm>>
        tpu.wait_dma2 semaphore(%run_scoped3A_197 : memref<!tpu.dma_semaphore, #tpu.memory_space<semaphore_mem>>) src(%arg12 : memref<128x128xf32, #tpu.memory_space<vmem>>) dst(%dma_wait3A_201 : memref<128x128xf32, #tpu.memory_space<hbm>>)
        tpu.yield
      }) : () -> ()
    }
    %scan3A_183 = arith.constant 5 : i32
    return
  }
}

module attributes {stable_mosaic.version = 14 : i64} {
  func.func @_mm_kernel(%arg0: i32, %arg1: i32, %arg2: memref<512x256xf32, #tpu.memory_space<vmem>>, %arg3: memref<128x256xf32, #tpu.memory_space<vmem>>, %arg4: memref<32x512xf32, #tpu.memory_space<vmem>>, %arg5: memref<512x128xf32, #tpu.memory_space<vmem>>, %arg6: memref<1x1x512xf32, #tpu.memory_space<vmem>>) attributes {dimension_semantics = [#tpu.dimension_semantics<arbitrary>, #tpu.dimension_semantics<arbitrary>], iteration_bounds = array<i64: 2, 20>, scalar_prefetch = 0 : i64, scratch_operands = 0 : i64, tpu.core_type = #tpu.core_type<tc>, window_params = [{transform_indices = @transform_0, window_bounds = array<i64: 512, 256>}, {transform_indices = @transform_1, window_bounds = array<i64: 128, 256>}, {transform_indices = @transform_2, window_bounds = array<i64: 32, 512>}, {transform_indices = @transform_3, window_bounds = array<i64: 512, 128>}, {transform_indices = @transform_4, window_bounds = array<i64: 1, 1, 512>}]} {
    %get3A = arith.constant 0 : index
    %get3A_0 = arith.constant 0 : index
    %get3A_1 = vector.load %arg4[%get3A, %get3A_0] : memref<32x512xf32, #tpu.memory_space<vmem>>, vector<32x512xf32>
    %reduce_sum3A = arith.constant dense<0.000000e+00> : vector<512xf32>
    %reduce_sum3A_2 = vector.multi_reduction <add>, %get3A_1, %reduce_sum3A [0] : vector<32x512xf32> to vector<512xf32>
    %add3A = arith.constant 1.000000e+00 : f32
    %add3A_3 = vector.broadcast %add3A : f32 to vector<512xf32>
    %add3A_4 = arith.addf %reduce_sum3A_2, %add3A_3 : vector<512xf32>
    %rsqrt3A = math.rsqrt %add3A_4 : vector<512xf32>
    %get3A_5 = arith.constant 0 : index
    %get3A_6 = arith.constant 0 : index
    %get3A_7 = vector.load %arg2[%get3A_5, %get3A_6] : memref<512x256xf32, #tpu.memory_space<vmem>>, vector<512x256xf32>
    %get3A_8 = arith.constant 0 : index
    %get3A_9 = arith.constant 0 : index
    %get3A_10 = vector.load %arg3[%get3A_8, %get3A_9] : memref<128x256xf32, #tpu.memory_space<vmem>>, vector<128x256xf32>
    %dot_general3A = arith.constant dense<0.000000e+00> : vector<512x128xf32>
    %dot_general3A_11 = tpu.matmul %get3A_7, %get3A_10, %dot_general3A {dimension_numbers = #tpu.dot_dimension_numbers<[1], [1], [0], [0], [0, 0, 1, 0], [], []>, transpose_lhs_hint = false} : vector<512x256xf32>, vector<128x256xf32>, vector<512x128xf32> -> vector<512x128xf32>
    %broadcast_in_dim3A = vector.shape_cast %rsqrt3A : vector<512xf32> to vector<512x1xf32>
    %mul3A = vector.broadcast %broadcast_in_dim3A : vector<512x1xf32> to vector<512x128xf32>
    %mul3A_12 = arith.mulf %dot_general3A_11, %mul3A : vector<512x128xf32>
    %swap3A = arith.constant 0 : index
    %swap3A_13 = arith.constant 0 : index
    %swap3A_14 = vector.load %arg5[%swap3A, %swap3A_13] : memref<512x128xf32, #tpu.memory_space<vmem>>, vector<512x128xf32>
    tpu.vector_store %arg5[%swap3A, %swap3A_13], %mul3A_12 {strides = array<i32>} : memref<512x128xf32, #tpu.memory_space<vmem>>, vector<512x128xf32>,
    %reshape3A = vector.shape_cast %rsqrt3A : vector<512xf32> to vector<1x1x512xf32>
    %swap3A_15 = arith.constant 0 : index
    %swap3A_16 = arith.constant 0 : index
    %swap3A_17 = arith.constant 0 : index
    %swap3A_18 = vector.load %arg6[%swap3A_15, %swap3A_16, %swap3A_17] : memref<1x1x512xf32, #tpu.memory_space<vmem>>, vector<1x1x512xf32>
    tpu.vector_store %arg6[%swap3A_15, %swap3A_16, %swap3A_17], %reshape3A {strides = array<i32>} : memref<1x1x512xf32, #tpu.memory_space<vmem>>, vector<1x1x512xf32>,
    return
  }
  func.func @transform_0(%arg0: i32, %arg1: i32) -> (i32, i32) {
    %c0_i32 = arith.constant 0 : i32
    %c0_i32_0 = arith.constant 0 : i32
    return %arg1, %c0_i32 : i32, i32
  }
  func.func @transform_1(%arg0: i32, %arg1: i32) -> (i32, i32) {
    %c0_i32 = arith.constant 0 : i32
    %c0_i32_0 = arith.constant 0 : i32
    return %arg0, %c0_i32 : i32, i32
  }
  func.func @transform_2(%arg0: i32, %arg1: i32) -> (i32, i32) {
    %c0_i32 = arith.constant 0 : i32
    %c0_i32_0 = arith.constant 0 : i32
    return %c0_i32, %arg1 : i32, i32
  }
  func.func @transform_3(%arg0: i32, %arg1: i32) -> (i32, i32) {
    %mul3A = arith.constant 20 : i32
    %mul3A_0 = arith.muli %arg0, %mul3A : i32
    %add3A = arith.addi %mul3A_0, %arg1 : i32
    %c0_i32 = arith.constant 0 : i32
    %c0_i32_1 = arith.constant 0 : i32
    return %add3A, %c0_i32 : i32, i32
  }
  func.func @transform_4(%arg0: i32, %arg1: i32) -> (i32, i32, i32) {
    %c0_i32 = arith.constant 0 : i32
    %c0_i32_0 = arith.constant 0 : i32
    return %arg0, %c0_i32, %arg1 : i32, i32, i32
  }
}

</mosaic_0001>

<sc_bundles>
// kernel: kernel.5.cloned.1.call-start
scs
__scs_entry_jumppad:
0x0: {  	(pc) =	sbr.rel $0x88, $3  }
0x1: {  	(tag) =	ssettag $0x0;
	lr =	simm.s32 $0x1  }
0x2: {  	[smem:$0x3F9D] =	sst lr;
	_ =	strace $0xD0000000  }
0x3: {  	_ = 	snop  }
0x4: {  	_ = 	snop  }
0x5: {  	_ = 	snop  }
0x6: {  	_ = 	snop  }
0x7: {  	_ = 	snop  }
__scs_overlays_trampoline_lowered:
0x8: {  	[smem:$0x3FAC] =	sst s0  }
0x9: {  	[smem:$0x3FAD] =	sst s1  }
0xa: {  	[smem:$0x3FAE] =	sst s2  }
0xb: {  	[smem:$0x3FAF] =	sst s3  }
0xc: {  	[smem:$0x3FB0] =	sst s4  }
0xd: {  	[smem:$0x3FB1] =	sst s5  }
0xe: {  	[smem:$0x3FB2] =	sst s6  }
0xf: {  	[smem:$0x3FB3] =	sst s7  }
0x10: {  	[smem:$0x3FB4] =	sst s8  }
0x11: {  	[smem:$0x3FB5] =	sst s9;
	s0 =	simm.s32 @!p0 $0x0  }
0x12: {  	s1 =	sld [smem:$0x3F9B];
	s0 =	simm.s32 @p0 $0x1  }
0x13: {  	[smem:$0x3FB6] =	sst s0;
	s0 =	simm.s32 @!p1 $0x0  }
0x14: {  	s2 =	sld [smem:$0x3F9A];
	s0 =	simm.s32 @p1 $0x1  }
0x15: {  	[smem:$0x3FB7] =	sst s0;
	s0 =	simm.s32 @!p2 $0x0  }
0x16: {  	s3 =	sld [smem:$0x3FDB];
	s0 =	simm.s32 @p2 $0x1  }
0x17: {  	s4 =	simm.s32 $0x1BF5;
	[smem:$0x3FB9] =	sst s0  }
0x18: {  	s0 =	sld [smem:$0x3F9C];
	_ =	swait.ge [sflag:s4], $0x0  }
0x19: {  	s7 =	sld [smem:$0x3F9D]  }
0x1a: {  	s8 =	sadd.s32 $0xFFFFE003, lr  }
0x1b: {  	s9 =	sadd.s32 $0xFFFFFEF7, lr;
	s5 =	simm.s32 $0xFFFFFFFF;
	p2 =	slt.u32 s8, $0xFFFFF086  }
0x1c: {  	p1 =	slt.u32 s9, $0xF7A;
	s5 =	simm.s32 @!p2 $0x0  }
0x1d: {  	s5 =	simm.s32 @p1 $0x1;
	p0 =	seq.s32 s7, s2  }
0x1e: {  	s7 =	smul.u32 @!p0 $0xF7A, s2;
	p2 =	seq.s32 @!p0 s5, $0x0  }
0x1f: {  	s9 =	smul.u32 $0xF7A, s1;
	s8 =	simm.s32 @!p0 $0x1BF5;
	p2 =	por !p2, p0  }
0x20: {  	[sflag:s8] =	ssyncset.s32 @!p0 $0xFFFFF086;
	s6 =	sadd.s32 @!p0 s3, s7;
	s7 =	simm.s32 @!p0 $0x108  }
0x21: {  	s3 =	sadd.s32 s3, s9;
	s6 =	sadd.s32 @!p0 $0x88, s6;
	s7 =	simm.s32 @p2 $0x1082  }
0x22: {  	[simem:s7], [sflag:s8] =	dma.local @!p0 [hbm:s6], $0xF7A  }
0x23: {  	s9 =	sor.u32 $0xD0000000, s2;
	s6 =	simm.s32 $0x108;
	_ =	swait.ge @!p0 [sflag:s8], $0x0  }
0x24: {  	s3 =	sadd.s32 $0x88, s3;
	s6 =	simm.s32 @!p1 $0x1082;
	[sflag:s4] =	ssyncset.s32 $0xFFFFF086  }
0x25: {  	[simem:s6], [sflag:s4] =	dma.local [hbm:s3], $0xF7A  }
0x26: {  	[smem:$0x3F9D] =	sst s1;
	(tag) =	ssettag s2;
	_ =	strace s9  }
0x27: {  	s1 =	sld [smem:$0x3FAD]  }
0x28: {  	s2 =	sld [smem:$0x3FAE]  }
0x29: {  	s4 =	sld [smem:$0x3FB0]  }
0x2a: {  	p0 =	seq.s32 s5, $0x0;
	s5 =	sld [smem:$0x3FB1]  }
0x2b: {  	s6 =	sld [smem:$0x3FB2]  }
0x2c: {  	s7 =	sld [smem:$0x3FB3]  }
0x2d: {  	s3 =	simm.s32 $0x108;
	s8 =	sld [smem:$0x3FB4]  }
0x2e: {  	s3 =	simm.s32 @!p0 $0x1082;
	s9 =	sld [smem:$0x3FB5]  }
0x2f: {  	lr =	sadd.s32 s0, s3;
	s0 =	sld [smem:$0x3FAC]  }
0x30: {  	s3 =	sld [smem:$0x3FAF]  }
0x31: {  	[smem:$0x3FB8] =	sst s10  }
0x32: {  	s10 =	sld [smem:$0x3FB6];
	_ =	sdelay $0x3  }
0x33: {  	p0 =	seq.s32 s10, $0x1;
	s10 =	sld [smem:$0x3FB8];
	_ =	sdelay $0x3  }
0x34: {  	[smem:$0x3FB8] =	sst s10  }
0x35: {  	s10 =	sld [smem:$0x3FB7];
	_ =	sdelay $0x3  }
0x36: {  	p1 =	seq.s32 s10, $0x1;
	s10 =	sld [smem:$0x3FB8];
	_ =	sdelay $0x3  }
0x37: {  	[smem:$0x3FB8] =	sst s10  }
0x38: {  	s10 =	sld [smem:$0x3FB9]  }
0x39: {  	_ = 	snop;
	(pc) =	sbr.ind lr, $3  }
0x3a: {  	_ = 	snop  }
0x3b: {  	_ = 	snop  }
0x3c: {  	p2 =	seq.s32 s10, $0x1;
	s10 =	sld [smem:$0x3FB8]  }
0x3d: {  	_ =	shalt  }
0x3e: {  	_ =	shalt  }
0x3f: {  	_ =	shalt  }
0x40: {  	_ =	shalt  }
0x41: {  	_ =	shalt  }
0x42: {  	_ =	shalt  }
0x43: {  	_ =	shalt  }
0x44: {  	_ =	shalt  }
0x45: {  	_ =	shalt  }
0x46: {  	_ =	shalt  }
0x47: {  	_ =	shalt  }
0x48: {  	_ =	shalt  }
0x49: {  	_ =	shalt  }
0x4a: {  	_ =	shalt  }
0x4b: {  	_ =	shalt  }
0x4c: {  	_ =	shalt  }
0x4d: {  	_ =	shalt  }
0x4e: {  	_ =	shalt  }
0x4f: {  	_ =	shalt  }
0x50: {  	_ =	shalt  }
0x51: {  	_ =	shalt  }
0x52: {  	_ =	shalt  }
0x53: {  	_ =	shalt  }
0x54: {  	_ =	shalt  }
0x55: {  	_ =	shalt  }
0x56: {  	_ =	shalt  }
0x57: {  	_ =	shalt  }
0x58: {  	_ =	shalt  }
0x59: {  	_ =	shalt  }
0x5a: {  	_ =	shalt  }
0x5b: {  	_ =	shalt  }
0x5c: {  	_ =	shalt  }
0x5d: {  	_ =	shalt  }
0x5e: {  	_ =	shalt  }
0x5f: {  	_ =	shalt  }
0x60: {  	_ =	shalt  }
0x61: {  	_ =	shalt  }
0x62: {  	_ =	shalt  }
0x63: {  	_ =	shalt  }
0x64: {  	_ =	shalt  }
0x65: {  	_ =	shalt  }
0x66: {  	_ =	shalt  }
0x67: {  	_ =	shalt  }
0x68: {  	_ =	shalt  }
0x69: {  	_ =	shalt  }
0x6a: {  	_ =	shalt  }
0x6b: {  	_ =	shalt  }
0x6c: {  	_ =	shalt  }
0x6d: {  	_ =	shalt  }
0x6e: {  	_ =	shalt  }
0x6f: {  	_ =	shalt  }
0x70: {  	_ =	shalt  }
0x71: {  	_ =	shalt  }
0x72: {  	_ =	shalt  }
0x73: {  	_ =	shalt  }
0x74: {  	_ =	shalt  }
0x75: {  	_ =	shalt  }
0x76: {  	_ =	shalt  }
0x77: {  	_ =	shalt  }
0x78: {  	_ =	shalt  }
0x79: {  	_ =	shalt  }
0x7a: {  	_ =	shalt  }
0x7b: {  	_ =	shalt  }
0x7c: {  	_ =	shalt  }
0x7d: {  	_ =	shalt  }
0x7e: {  	_ =	shalt  }
0x7f: {  	_ =	shalt  }
0x80: {  	_ =	shalt  }
0x81: {  	_ =	shalt  }
0x82: {  	_ =	shalt  }
0x83: {  	_ =	shalt  }
0x84: {  	_ =	shalt  }
0x85: {  	_ =	shalt  }
0x86: {  	_ =	shalt  }
0x87: {  	_ =	shalt  }
.Lfunc_end0:
.L_simem_size_0:
called_computation_lowered:
.L_overlay_start_0:
0x88: {  	s2 =	sld [smem:$0x3FD9]  }
0x89: {  	s3 =	sld [smem:$0x3FFE];
	_ =	sdelay $0x1  }
0x8a: {  	s1 =	srdreg.scid  }
0x8b: {  	s0 =	sand.u32 $0x1, s1  }
0x8c: {  	s16 =	sshll.u32 s0, $0xA;
	s2 =	sadd.s32 s3, s2  }
0x8d: {  	s2 =	sadd.s32 s2, s16  }
0x8e: {  	[smem:$0x3FC4] =	sst s2  }
0x8f: {  	_ = 	snop  }
0x90: {  	(tm) =	ssettm $0x1  }
0x91: {  	s17 =	sld [smem:$0x3FFB];
	_ =	sdelay $0x3  }
0x92: {  	_ =	strace s17  }
0x93: {  	s2 =	sld [smem:$0x3FFC];
	_ =	sdelay $0x3  }
0x94: {  	_ =	strace s2  }
0x95: {  	s2 =	sld [smem:$0x3FFD];
	_ =	sdelay $0x3  }
0x96: {  	_ =	strace s2  }
0x97: {  	_ =	strace $0x8FFFFFFF  }
0x98: {  	s18 =	sld [smem:$0x3FDB];
	_ =	sdelay $0x1  }
0x99: {  	s19 =	simm.s32 $_scs_section_size  }
0x9a: {  	s4 =	simm.s32 $_size__tile_overlayer_lowered;
	s5 =	simm.s32 $_tile_overlayer_lowered  }
0x9b: {  	s22 =	simm.s32 $0x1BFF;
	s21 =	sshll.u32 s5, $0x1;
	s2 =	sadd.s32 s19, s18  }
0x9c: {  	s6 =	simm.s32 $0x0;
	s20 =	sshll.u32 s4, $0x1;
	s4 =	sadd.s32 s21, s2  }
0x9d: {  	[timem:s6], [sflag:s22] =	dma.local [hbm:s4], s20  }
0x9e: {  	_ =	swait.ge [sflag:s22], s20  }
0x9f: {  	s3 =	ssub.s32 $0x0, s20;
	[sflag:s22] =	ssyncset.done $0x0  }
0xa0: {  	[sflag:s22] =	ssyncadd.s32 s3;
	_ =	sdelay $0x1  }
0xa1: {  	s23 =	simm.s32 $0x1B8B  }
0xa2: {  	_ =	swait.ge [sflag:s23], $0x1  }
0xa3: {  	[sflag:s23] =	ssyncset.done $0x0  }
0xa4: {  	s25 =	simm.s32 $0x1B8E;
	s24 =	sld [smem:$0x3FFE];
	[sflag:s23] =	ssyncadd.s32 $0xFFFFFFFF  }
0xa5: {  	s26 =	simm.s32 $execute0_lowered;
	[smem:$0x3FD2] =	sst s25  }
0xa6: {  	s4 =	sshll.u32 s26, $0x1;
	_ =	strace $0x80000046;
	[dreg:$0x1] =	wrdreg $0xFFFFFFFF  }
0xa7: {  	s28 =	simm.s32 $_size_execute0_lowered;
	s2 =	sadd.s32 s2, s4;
	[dreg:$0x0] =	wrdreg $0x0  }
0xa8: {  	s4 =	sshll.u32 s28, $0x1;
	[dreg:$0x2] =	wrdreg s2  }
0xa9: {  	[dreg:$0x3] =	wrdreg s4  }
0xaa: {  	[dreg:$0x4] =	wrdreg $0xC0  }
0xab: {  	_ =	task [dreg:s6], $0x5FFFF  }
0xac: {  	[dreg:$0x1] =	wrdreg $0xFFFFFFFF  }
0xad: {  	[dreg:$0x0] =	wrdreg $0x60  }
0xae: {  	[dreg:$0x2] =	wrdreg s24  }
0xaf: {  	[dreg:$0x3] =	wrdreg $0x9  }
0xb0: {  	_ =	task.clear_ibuf [dreg:s6], $0x4FFFF;
	_ =	strace $0x90000046  }
0xb1: {  	s29 =	simm.s32 $0x9;
	_ =	strace $0x80000048  }
0xb2: {  	_ =	swait.ge [sflag:s29], $0x1  }
0xb3: {  	[sflag:s29] =	ssyncadd.s32 $0xFFFFFFFF  }
0xb4: {  	_ =	strace $0x90000048  }
0xb5: {  	_ =	sfence  }
0xb6: {  	s30 =	sld [smem:$0x0];
	_ =	sdelay $0x2  }
0xb7: {  	s31 =	sshll.u32 s1, $0xD;
	s1 =	sshrl.u32 s1, $0x2  }
0xb8: {  	s3 =	sand.u32 $0x4000, s31;
	s1 =	sadd.s32 s1, s30  }
0xb9: {  	s0 =	sor.u32 s3, s0;
	s1 =	sshll.u32 s1, $0x11  }
0xba: {  	s0 =	sor.u32 s1, s0  }
0xbb: {  	s0 =	sadd.s32 $0x8F2B, s0  }
0xbc: {  	[sflag:s0] =	ssyncadd.remote.s32 $0x1  }
0xbd: {  	_ =	sfence.sel $0xFFFF  }
0xbe: {  	[dreg:$0x0] =	wrdreg $0xFFFFFFFF;
	(pc) =	sbr.abs _section_cstart, $3  }
0xbf: {  	[dreg:$0x1] =	wrdreg $0xFFFFFFFF  }
0xc0: {  	_ =	task.clear_ibuf [dreg:s6], $0x2FFFF;
	_ =	strace $0x9FFFFFFF  }
0xc1: {  	(tm) =	ssettm $0x7FFFFFFF  }
tec
execute0_lowered:
.L_overlay_start_1:
0x0: {  	(tag) =	ssettag $0x1  }
0x1: {  	s3 =	rddreg [dreg:$0x0]  }
0x2: {  	s0 =	rddreg [dreg:$0x1]  }
0x3: {  	s1 =	stileid.u32;
	s2 =	simm.s32 $0x0;
	s4 =	srdreg.scid  }
0x4: {  	s9 =	simm.s32 $0x1;
	s10 =	simm.s32 $0x0;
	s5 =	sshrl.u32 s1, $0x2  }
0x5: {  	s4 =	sand.u32 $0x1, s4;
	s6 =	sshll.u32 s1, $0x8;
	[smem:$0x7FF] =	sst s2  }
0x6: {  	s7 =	smul.u32 $0xA000, s5;
	s8 =	sshll.u32 s4, $0x7;
	s6 =	sand.u32 $0x300, s6  }
0x7: {  	s5 =	smul.u32 $0x14000, s5;
	s4 =	ssub.s32 $0x2, s4;
	s6 =	sor.u32 s8, s6  }
0x8: {  	_ =	strace $0x80000047;
	s30 =	sshrl.u32 s4, $0x1;
	s7 =	sor.u32 s7, s6  }
0x9: {  	s8 =	simm.s32 $0x2800;
	s5 =	sor.u32 s5, s6;
	s29 =	sshrl.u32 s7, $0x3  }
0xa: {  	s31 =	ssub.s32 s4, s30;
	s5 =	sshrl.u32 s5, $0x3;
	s6 =	sadd.s32 s29, s3  }
0xb: {  	s7 =	simm.s32 $0x400;
	s5 =	sadd.s32 s5, s3;
	s3 =	sadd.s32 $0x800, s6  }
0xc: {  	v0 =	vimm.f32 $0.0e+00;
	v1 =	vimm.f32 $1.000000000e+00;
	s4 =	sadd.s32 $0x5800, s5;
	s5 =	smax.u32 s31, $0x1;
	s6 =	simm.s32 $0x80  }
.LBB2_1:
0xd: {  	s11 =	simm.s32 $0x40;
	s12 =	simm.s32 $0x0  }
.LBB2_2:
0xe: {  	p0 =	sne.s32 s11, $0x9FC0;
	[tilespmem:s12+$0x0] =	vst v0;
	s12 =	smov.u32 s11;
	s11 =	sadd.s32 $0x40, s11  }
.Ltmp0:
0xf: {  	(pc) =	sbr.rel @p0 .LBB2_2-.Ltmp0, $2  }
0x10: {  	_ =	sdelay $0x2  }
0x11: {  	s12 =	sshra.s32 s12, $0x2  }
0x12: {  	[tilespmem:s12+$0x0] =	vst v0  }
0x13: {  	[tilespmem:s8], [sflag:$0x1] =	stream.strided.gather [hbm4b:s3+s6], $0x1400, s7, s6, $0x38;
	[tilespmem:$0x3C00] =	vst v63  }
0x14: {  	_ =	swait.ge [sflag:s9], $0x1400  }
0x15: {  	[sflag:s9] =	ssyncset.done $0x0  }
0x16: {  	s12 =	simm.s32 $0x0;
	s11 =	simm.s32 $0x40;
	[sflag:s9] =	ssyncadd.s32 $0xFFFFEC00  }
.LBB2_4:
0x17: {  	p0 =	sne.s32 s11, $0x4FC0;
	v2 =	vld [tilespmem:s12+$0x2800];
	_ =	sdelay $0x4  }
0x18: {  	v2 =	vshrl.u32 v2, $0x10  }
.Ltmp1:
0x19: {  	(pc) =	sbr.rel @p0 .LBB2_4-.Ltmp1, $2  }
0x1a: {  	_ =	sdelay $0x2  }
0x1b: {  	s12 =	sshra.s32 s11, $0x2;
	s11 =	sadd.s32 $0x40, s11;
	[tilespmem:v2+s2+$0x0] =	vst.idx.add.f32.msk $0xffff, v1  }
0x1c: {  	v2 =	vld [tilespmem:s12+$0x2800];
	_ =	sdelay $0x4  }
0x1d: {  	v2 =	vshrl.u32 v2, $0x10;
	_ =	sdelay $0x2  }
0x1e: {  	s10 =	sadd.s32 $0x1, s10  }
0x1f: {  	p0 =	sne.s32 s10, s5  }
.Ltmp2:
0x20: {  	[tilespmem:v2+s2+$0x0] =	vst.idx.add.f32.msk $0xffff, v1;
	(pc) =	sbr.rel @p0 .LBB2_1-.Ltmp2, $4  }
0x21: {  	[hbm4b:s4+s6] =	stream.strided.scatter [tilespmem:s2], [sflag:$0x1], $0x2800, s7, s6, $0x38;
	[tilespmem:$0x3C00] =	vst v63  }
0x22: {  	_ =	swait.ge [sflag:s9], $0x2800  }
0x23: {  	[sflag:s9] =	ssyncset.done $0x0  }
0x24: {  	[sflag:s9] =	ssyncadd.s32 $0xFFFFD800  }
0x25: {  	_ =	sfence.sel $0x180000  }
0x26: {  	[bflag:$0x0] =	sbarrier.arrive $0xFFFF  }
0x27: {  	p0 =	sne.s32 s1, $0x0;
	_ =	strace $0x90000047  }
0x28: {  	s0 =	sadd.s32 @!p0 $0x100000, s0;
	[bflag:$0x2] =	sbarrier.arrive $0xFFFF  }
0x29: {  	[sflag:s0] =	ssyncadd.tile.s32 @!p0 $0x1;
	_ =	shalt  }
.Lfunc_end2:
_tile_overlayer_lowered:
.L_overlay_start_2:
0x2a: {  	(tag) =	ssettag $0x2  }
0x2b: {  	s0 =	rddreg [dreg:$0x0];
	s2 =	stileid.u32  }
0x2c: {  	s1 =	rddreg [dreg:$0x1];
	p0 =	sne.s32 s2, $0x0  }
0x2d: {  	s3 =	rddreg [dreg:$0x2];
	[bflag:$0x3] =	sbarrier.arrive $0xFFFF;
	s2 =	simm.s32 @!p0 $0x1C01  }
0x2e: {  	[timem:s3], [sflag:s2] =	dma.local @!p0 [hbm:s0], s1  }
0x2f: {  	s0 =	simm.s32 @!p0 $0x1  }
0x30: {  	_ =	swait.ge @!p0 [sflag:s0], s1  }
0x31: {  	s1 =	ssub.s32 @!p0 $0x0, s1;
	[sflag:s0] =	ssyncset.done @!p0 $0x0  }
0x32: {  	[sflag:s0] =	ssyncadd.s32 @!p0 s1  }
0x33: {  	[bflag:$0x3] =	sbarrier.arrive $0xFFFF  }
0x34: {  	_ =	shalt  }

// kernel: kernel.8.cloned.1.call-start
scs
__scs_entry_jumppad:
0x0: {  	(pc) =	sbr.rel $0x88, $3  }
0x1: {  	(tag) =	ssettag $0x0;
	lr =	simm.s32 $0x1  }
0x2: {  	[smem:$0x3F9D] =	sst lr;
	_ =	strace $0xD0000000  }
0x3: {  	_ = 	snop  }
0x4: {  	_ = 	snop  }
0x5: {  	_ = 	snop  }
0x6: {  	_ = 	snop  }
0x7: {  	_ = 	snop  }
__scs_overlays_trampoline_lowered:
0x8: {  	[smem:$0x3FAC] =	sst s0  }
0x9: {  	[smem:$0x3FAD] =	sst s1  }
0xa: {  	[smem:$0x3FAE] =	sst s2  }
0xb: {  	[smem:$0x3FAF] =	sst s3  }
0xc: {  	[smem:$0x3FB0] =	sst s4  }
0xd: {  	[smem:$0x3FB1] =	sst s5  }
0xe: {  	[smem:$0x3FB2] =	sst s6  }
0xf: {  	[smem:$0x3FB3] =	sst s7  }
0x10: {  	[smem:$0x3FB4] =	sst s8  }
0x11: {  	[smem:$0x3FB5] =	sst s9;
	s0 =	simm.s32 @!p0 $0x0  }
0x12: {  	s1 =	sld [smem:$0x3F9B];
	s0 =	simm.s32 @p0 $0x1  }
0x13: {  	[smem:$0x3FB6] =	sst s0;
	s0 =	simm.s32 @!p1 $0x0  }
0x14: {  	s2 =	sld [smem:$0x3F9A];
	s0 =	simm.s32 @p1 $0x1  }
0x15: {  	[smem:$0x3FB7] =	sst s0;
	s0 =	simm.s32 @!p2 $0x0  }
0x16: {  	s3 =	sld [smem:$0x3FDB];
	s0 =	simm.s32 @p2 $0x1  }
0x17: {  	s4 =	simm.s32 $0x1BF5;
	[smem:$0x3FB9] =	sst s0  }
0x18: {  	s0 =	sld [smem:$0x3F9C];
	_ =	swait.ge [sflag:s4], $0x0  }
0x19: {  	s7 =	sld [smem:$0x3F9D]  }
0x1a: {  	s8 =	sadd.s32 $0xFFFFE003, lr  }
0x1b: {  	s9 =	sadd.s32 $0xFFFFFEF7, lr;
	s5 =	simm.s32 $0xFFFFFFFF;
	p2 =	slt.u32 s8, $0xFFFFF086  }
0x1c: {  	p1 =	slt.u32 s9, $0xF7A;
	s5 =	simm.s32 @!p2 $0x0  }
0x1d: {  	s5 =	simm.s32 @p1 $0x1;
	p0 =	seq.s32 s7, s2  }
0x1e: {  	s7 =	smul.u32 @!p0 $0xF7A, s2;
	p2 =	seq.s32 @!p0 s5, $0x0  }
0x1f: {  	s9 =	smul.u32 $0xF7A, s1;
	s8 =	simm.s32 @!p0 $0x1BF5;
	p2 =	por !p2, p0  }
0x20: {  	[sflag:s8] =	ssyncset.s32 @!p0 $0xFFFFF086;
	s6 =	sadd.s32 @!p0 s3, s7;
	s7 =	simm.s32 @!p0 $0x108  }
0x21: {  	s3 =	sadd.s32 s3, s9;
	s6 =	sadd.s32 @!p0 $0x88, s6;
	s7 =	simm.s32 @p2 $0x1082  }
0x22: {  	[simem:s7], [sflag:s8] =	dma.local @!p0 [hbm:s6], $0xF7A  }
0x23: {  	s9 =	sor.u32 $0xD0000000, s2;
	s6 =	simm.s32 $0x108;
	_ =	swait.ge @!p0 [sflag:s8], $0x0  }
0x24: {  	s3 =	sadd.s32 $0x88, s3;
	s6 =	simm.s32 @!p1 $0x1082;
	[sflag:s4] =	ssyncset.s32 $0xFFFFF086  }
0x25: {  	[simem:s6], [sflag:s4] =	dma.local [hbm:s3], $0xF7A  }
0x26: {  	[smem:$0x3F9D] =	sst s1;
	(tag) =	ssettag s2;
	_ =	strace s9  }
0x27: {  	s1 =	sld [smem:$0x3FAD]  }
0x28: {  	s2 =	sld [smem:$0x3FAE]  }
0x29: {  	s4 =	sld [smem:$0x3FB0]  }
0x2a: {  	p0 =	seq.s32 s5, $0x0;
	s5 =	sld [smem:$0x3FB1]  }
0x2b: {  	s6 =	sld [smem:$0x3FB2]  }
0x2c: {  	s7 =	sld [smem:$0x3FB3]  }
0x2d: {  	s3 =	simm.s32 $0x108;
	s8 =	sld [smem:$0x3FB4]  }
0x2e: {  	s3 =	simm.s32 @!p0 $0x1082;
	s9 =	sld [smem:$0x3FB5]  }
0x2f: {  	lr =	sadd.s32 s0, s3;
	s0 =	sld [smem:$0x3FAC]  }
0x30: {  	s3 =	sld [smem:$0x3FAF]  }
0x31: {  	[smem:$0x3FB8] =	sst s10  }
0x32: {  	s10 =	sld [smem:$0x3FB6];
	_ =	sdelay $0x3  }
0x33: {  	p0 =	seq.s32 s10, $0x1;
	s10 =	sld [smem:$0x3FB8];
	_ =	sdelay $0x3  }
0x34: {  	[smem:$0x3FB8] =	sst s10  }
0x35: {  	s10 =	sld [smem:$0x3FB7];
	_ =	sdelay $0x3  }
0x36: {  	p1 =	seq.s32 s10, $0x1;
	s10 =	sld [smem:$0x3FB8];
	_ =	sdelay $0x3  }
0x37: {  	[smem:$0x3FB8] =	sst s10  }
0x38: {  	s10 =	sld [smem:$0x3FB9]  }
0x39: {  	_ = 	snop;
	(pc) =	sbr.ind lr, $3  }
0x3a: {  	_ = 	snop  }
0x3b: {  	_ = 	snop  }
0x3c: {  	p2 =	seq.s32 s10, $0x1;
	s10 =	sld [smem:$0x3FB8]  }
0x3d: {  	_ =	shalt  }
0x3e: {  	_ =	shalt  }
0x3f: {  	_ =	shalt  }
0x40: {  	_ =	shalt  }
0x41: {  	_ =	shalt  }
0x42: {  	_ =	shalt  }
0x43: {  	_ =	shalt  }
0x44: {  	_ =	shalt  }
0x45: {  	_ =	shalt  }
0x46: {  	_ =	shalt  }
0x47: {  	_ =	shalt  }
0x48: {  	_ =	shalt  }
0x49: {  	_ =	shalt  }
0x4a: {  	_ =	shalt  }
0x4b: {  	_ =	shalt  }
0x4c: {  	_ =	shalt  }
0x4d: {  	_ =	shalt  }
0x4e: {  	_ =	shalt  }
0x4f: {  	_ =	shalt  }
0x50: {  	_ =	shalt  }
0x51: {  	_ =	shalt  }
0x52: {  	_ =	shalt  }
0x53: {  	_ =	shalt  }
0x54: {  	_ =	shalt  }
0x55: {  	_ =	shalt  }
0x56: {  	_ =	shalt  }
0x57: {  	_ =	shalt  }
0x58: {  	_ =	shalt  }
0x59: {  	_ =	shalt  }
0x5a: {  	_ =	shalt  }
0x5b: {  	_ =	shalt  }
0x5c: {  	_ =	shalt  }
0x5d: {  	_ =	shalt  }
0x5e: {  	_ =	shalt  }
0x5f: {  	_ =	shalt  }
0x60: {  	_ =	shalt  }
0x61: {  	_ =	shalt  }
0x62: {  	_ =	shalt  }
0x63: {  	_ =	shalt  }
0x64: {  	_ =	shalt  }
0x65: {  	_ =	shalt  }
0x66: {  	_ =	shalt  }
0x67: {  	_ =	shalt  }
0x68: {  	_ =	shalt  }
0x69: {  	_ =	shalt  }
0x6a: {  	_ =	shalt  }
0x6b: {  	_ =	shalt  }
0x6c: {  	_ =	shalt  }
0x6d: {  	_ =	shalt  }
0x6e: {  	_ =	shalt  }
0x6f: {  	_ =	shalt  }
0x70: {  	_ =	shalt  }
0x71: {  	_ =	shalt  }
0x72: {  	_ =	shalt  }
0x73: {  	_ =	shalt  }
0x74: {  	_ =	shalt  }
0x75: {  	_ =	shalt  }
0x76: {  	_ =	shalt  }
0x77: {  	_ =	shalt  }
0x78: {  	_ =	shalt  }
0x79: {  	_ =	shalt  }
0x7a: {  	_ =	shalt  }
0x7b: {  	_ =	shalt  }
0x7c: {  	_ =	shalt  }
0x7d: {  	_ =	shalt  }
0x7e: {  	_ =	shalt  }
0x7f: {  	_ =	shalt  }
0x80: {  	_ =	shalt  }
0x81: {  	_ =	shalt  }
0x82: {  	_ =	shalt  }
0x83: {  	_ =	shalt  }
0x84: {  	_ =	shalt  }
0x85: {  	_ =	shalt  }
0x86: {  	_ =	shalt  }
0x87: {  	_ =	shalt  }
.Lfunc_end0:
.L_simem_size_0:
called_computation.1_lowered:
.L_overlay_start_0:
0x88: {  	s2 =	sld [smem:$0x3FD9]  }
0x89: {  	s3 =	sld [smem:$0x3FFE];
	_ =	sdelay $0x1  }
0x8a: {  	s1 =	srdreg.scid  }
0x8b: {  	s0 =	sand.u32 $0x1, s1  }
0x8c: {  	s17 =	sshll.u32 s0, $0xA;
	s2 =	sadd.s32 s3, s2  }
0x8d: {  	s2 =	sadd.s32 s2, s17  }
0x8e: {  	[smem:$0x3FC4] =	sst s2  }
0x8f: {  	_ = 	snop  }
0x90: {  	s2 =	sld [smem:$0x3FC6]  }
0x91: {  	s18 =	sld [smem:$0x3FD0];
	(tm) =	ssettm $0x1  }
0x92: {  	s4 =	sld [smem:$0x3FFB];
	_ =	sdelay $0x3  }
0x93: {  	_ =	strace s4  }
0x94: {  	s4 =	sld [smem:$0x3FFC];
	_ =	sdelay $0x3  }
0x95: {  	_ =	strace s4  }
0x96: {  	s4 =	sld [smem:$0x3FFD];
	_ =	sdelay $0x3  }
0x97: {  	_ =	strace s4  }
0x98: {  	_ =	strace $0x8FFFFFFF  }
0x99: {  	s19 =	sld [smem:$0x3FDB];
	_ =	sdelay $0x1  }
0x9a: {  	s5 =	simm.s32 $_scs_section_size  }
0x9b: {  	s6 =	simm.s32 $_size__tile_overlayer_lowered;
	s7 =	simm.s32 $_tile_overlayer_lowered  }
0x9c: {  	s22 =	simm.s32 $0x1BFF;
	s21 =	sshll.u32 s7, $0x1;
	s4 =	sadd.s32 s5, s19  }
0x9d: {  	s8 =	simm.s32 $0x0;
	s20 =	sshll.u32 s6, $0x1;
	s6 =	sadd.s32 s21, s4  }
0x9e: {  	[timem:s8], [sflag:s22] =	dma.local [hbm:s6], s20  }
0x9f: {  	_ =	swait.ge [sflag:s22], s20  }
0xa0: {  	s5 =	ssub.s32 $0x0, s20;
	[sflag:s22] =	ssyncset.done $0x0  }
0xa1: {  	[sflag:s22] =	ssyncadd.s32 s5;
	_ =	sdelay $0x1  }
0xa2: {  	s23 =	simm.s32 $0x1B8B  }
0xa3: {  	_ =	swait.ge [sflag:s23], $0x1  }
0xa4: {  	[sflag:s23] =	ssyncset.done $0x0  }
0xa5: {  	s25 =	simm.s32 $0x1B8E;
	s24 =	sld [smem:$0x3FFE];
	[sflag:s23] =	ssyncadd.s32 $0xFFFFFFFF  }
0xa6: {  	s26 =	simm.s32 $execute0_lowered;
	[smem:$0x3FD2] =	sst s25  }
0xa7: {  	s6 =	sshll.u32 s26, $0x1;
	_ =	strace $0x80000049;
	[dreg:$0x1] =	wrdreg $0xFFFFFFFF  }
0xa8: {  	s28 =	simm.s32 $_size_execute0_lowered;
	s4 =	sadd.s32 s4, s6;
	[dreg:$0x0] =	wrdreg $0x0  }
0xa9: {  	s6 =	sshll.u32 s28, $0x1;
	[dreg:$0x2] =	wrdreg s4  }
0xaa: {  	[dreg:$0x3] =	wrdreg s6  }
0xab: {  	[dreg:$0x4] =	wrdreg $0xC0  }
0xac: {  	_ =	task [dreg:s8], $0x5FFFF  }
0xad: {  	[dreg:$0x1] =	wrdreg $0xFFFFFFFF  }
0xae: {  	[dreg:$0x0] =	wrdreg $0x60  }
0xaf: {  	[dreg:$0x2] =	wrdreg s24  }
0xb0: {  	[dreg:$0x3] =	wrdreg s18  }
0xb1: {  	[dreg:$0x4] =	wrdreg s2  }
0xb2: {  	[dreg:$0x5] =	wrdreg $0xAD000  }
0xb3: {  	[dreg:$0x6] =	wrdreg $0x9  }
0xb4: {  	_ =	task.clear_ibuf [dreg:s8], $0x7FFFF;
	_ =	strace $0x90000049  }
0xb5: {  	s29 =	simm.s32 $0x9;
	_ =	strace $0x8000004B  }
0xb6: {  	_ =	swait.ge [sflag:s29], $0x1  }
0xb7: {  	[sflag:s29] =	ssyncadd.s32 $0xFFFFFFFF  }
0xb8: {  	_ =	strace $0x9000004B  }
0xb9: {  	_ =	sfence  }
0xba: {  	s30 =	sld [smem:$0x0];
	_ =	sdelay $0x2  }
0xbb: {  	s31 =	sshll.u32 s1, $0xD;
	s1 =	sshrl.u32 s1, $0x2  }
0xbc: {  	s3 =	sand.u32 $0x4000, s31;
	s1 =	sadd.s32 s1, s30  }
0xbd: {  	s0 =	sor.u32 s3, s0;
	s1 =	sshll.u32 s1, $0x11  }
0xbe: {  	s0 =	sor.u32 s1, s0  }
0xbf: {  	s0 =	sadd.s32 $0x8F2B, s0  }
0xc0: {  	[sflag:s0] =	ssyncadd.remote.s32 $0x1  }
0xc1: {  	_ =	sfence.sel $0xFFFF  }
0xc2: {  	[dreg:$0x0] =	wrdreg $0xFFFFFFFF;
	(pc) =	sbr.abs _section_cstart, $3  }
0xc3: {  	[dreg:$0x1] =	wrdreg $0xFFFFFFFF  }
0xc4: {  	_ =	task.clear_ibuf [dreg:s8], $0x2FFFF;
	_ =	strace $0x9FFFFFFF  }
0xc5: {  	(tm) =	ssettm $0x7FFFFFFF  }
tec
execute0_lowered:
.L_overlay_start_1:
0x0: {  	(tag) =	ssettag $0x1  }
0x1: {  	s0 =	rddreg [dreg:$0x0]  }
0x2: {  	s1 =	rddreg [dreg:$0x1]  }
0x3: {  	s6 =	rddreg [dreg:$0x2];
	s3 =	srdreg.scid  }
0x4: {  	s2 =	rddreg [dreg:$0x3];
	s22 =	stileid.u32  }
0x5: {  	s5 =	simm.s32 $0x0;
	s28 =	simm.s32 $0x2840;
	s4 =	smul.u32 $0x280, s22  }
0x6: {  	s29 =	simm.s32 $0x4A00;
	s7 =	sand.u32 $0x1, s3;
	s12 =	smul.u32 $0x2800, s22  }
0x7: {  	s30 =	simm.s32 $0x2900;
	s31 =	simm.s32 $0x6A00;
	s8 =	smul.u32 $0x2800, s7  }
0x8: {  	[smem:$0x7FF] =	sst s5;
	s5 =	sadd.s32 $0x800, s0;
	s9 =	smul.u32 $0x28000, s7  }
0x9: {  	s13 =	sshll.u32 s7, $0x7;
	s14 =	ssub.s32 $0x2, s7;
	s7 =	sshll.u32 s7, $0x4  }
0xa: {  	_ =	strace $0x8000004A;
	s23 =	sshrl.u32 s14, $0x1;
	s26 =	sadd.s32 s6, s7  }
0xb: {  	s7 =	smul.u32 $0x50000, s22;
	s18 =	sadd.s32 $0x180, s4;
	s21 =	sadd.s32 $0x200, s4  }
0xc: {  	s10 =	sadd.s32 s4, s8;
	s9 =	sadd.s32 s12, s9;
	s24 =	ssub.s32 s14, s23  }
0xd: {  	[dreg:$0x7] =	wrdreg s26;
	s20 =	sadd.s32 s8, s18;
	s23 =	sadd.s32 s8, s21  }
0xe: {  	s26 =	sshll.u32 s21, $0x7;
	s21 =	simm.s32 $0x2A00;
	s11 =	sshrl.u32 s10, $0x3  }
0xf: {  	s9 =	sshrl.u32 s9, $0x3;
	s6 =	sshll.u32 s10, $0x4;
	s10 =	smax.u32 s24, $0x1  }
0x10: {  	s22 =	sshll.u32 s20, $0x4;
	s24 =	sshll.u32 s23, $0x4;
	s23 =	simm.s32 $0xAA00  }
0x11: {  	s11 =	sadd.s32 s11, s0;
	s0 =	sadd.s32 s13, s0;
	s1 =	sadd.s32 s1, s9  }
0x12: {  	[dreg:$0x8] =	wrdreg s10;
	s13 =	sadd.s32 $0x100, s4;
	s10 =	simm.s32 $0x2980  }
0x13: {  	[dreg:$0x5] =	wrdreg s1;
	s25 =	sadd.s32 $0x50800, s11;
	s9 =	sadd.s32 $0x51200, s0  }
0x14: {  	s0 =	sadd.s32 s5, s6;
	s11 =	sadd.s32 $0x80, s4;
	s1 =	sshrl.u32 s7, $0x2  }
0x15: {  	s15 =	sadd.s32 s8, s13;
	s19 =	sshll.u32 s13, $0x7;
	s6 =	simm.s32 $0x80  }
0x16: {  	s7 =	simm.s32 $0x2880;
	s13 =	simm.s32 $0x0;
	[dreg:$0x6] =	wrdreg s25  }
0x17: {  	[dreg:$0x9] =	wrdreg s0;
	s12 =	sadd.s32 s8, s11;
	s1 =	sadd.s32 s1, s2  }
0x18: {  	s0 =	sshll.u32 s11, $0x7;
	s16 =	sshll.u32 s15, $0x4;
	s25 =	sadd.s32 s5, s24  }
0x19: {  	s24 =	simm.s32 $0x1;
	s8 =	simm.s32 $0x2;
	[dreg:$0xa] =	wrdreg s1  }
0x1a: {  	s11 =	simm.s32 $0x400;
	s0 =	sadd.s32 s0, s2;
	[dreg:$0x11] =	wrdreg s25  }
0x1b: {  	s14 =	sshll.u32 s12, $0x4;
	s17 =	sadd.s32 s5, s16;
	[dreg:$0xc] =	wrdreg s0  }
0x1c: {  	s25 =	simm.s32 $0x40;
	s1 =	sadd.s32 s5, s14;
	[dreg:$0xd] =	wrdreg s17  }
0x1d: {  	s0 =	sshll.u32 s18, $0x7;
	[dreg:$0xb] =	wrdreg s1;
	s1 =	sadd.s32 s19, s2  }
0x1e: {  	s12 =	simm.s32 $0x800;
	s0 =	sadd.s32 s0, s2;
	[dreg:$0xe] =	wrdreg s1  }
0x1f: {  	s1 =	sadd.s32 s5, s22;
	[dreg:$0x10] =	wrdreg s0;
	s0 =	sadd.s32 s26, s2  }
0x20: {  	s22 =	simm.s32 $0x3;
	s26 =	simm.s32 $0x2800;
	[dreg:$0xf] =	wrdreg s1  }
0x21: {  	[dreg:$0x12] =	wrdreg s0;
	s0 =	simm.s32 $0x2940;
	s1 =	simm.s32 $0x8A00  }
.LBB2_1:
0x22: {  	s3 =	simm.s32 $0x0;
	s14 =	rddreg [dreg:$0x9]  }
0x23: {  	[tilespmem:s21], [sflag:$0x3] =	stream.linear.gather [hbm4b:s14+s3], $0x4000, $0x38;
	[tilespmem:$0x1ED00] =	vst v63  }
0x24: {  	_ =	swait.ge [sflag:s22], $0x4000  }
0x25: {  	[sflag:s22] =	ssyncset.done $0x0  }
0x26: {  	s15 =	rddreg [dreg:$0xa];
	[sflag:s22] =	ssyncadd.s32 $0xFFFFC000  }
0x27: {  	[spmem:s15] =	stream.linear.scatter [tilespmem:s21], [sflag:$0x3], $0x4000, $0x38;
	[tilespmem:$0x1ED00] =	vst v63  }
0x28: {  	_ =	swait.ge [sflag:s22], $0x4000  }
0x29: {  	[sflag:s22] =	ssyncset.done $0x0  }
0x2a: {  	s16 =	rddreg [dreg:$0xb];
	[sflag:s22] =	ssyncadd.s32 $0xFFFFC000  }
0x2b: {  	[tilespmem:s21], [sflag:$0x3] =	stream.linear.gather [hbm4b:s16+s3], $0x4000, $0x38;
	[tilespmem:$0x1ED00] =	vst v63  }
0x2c: {  	_ =	swait.ge [sflag:s22], $0x4000  }
0x2d: {  	[sflag:s22] =	ssyncset.done $0x0  }
0x2e: {  	s17 =	rddreg [dreg:$0xc];
	[sflag:s22] =	ssyncadd.s32 $0xFFFFC000  }
0x2f: {  	[spmem:s17] =	stream.linear.scatter [tilespmem:s21], [sflag:$0x3], $0x4000, $0x38;
	[tilespmem:$0x1ED00] =	vst v63  }
0x30: {  	_ =	swait.ge [sflag:s22], $0x4000  }
0x31: {  	[sflag:s22] =	ssyncset.done $0x0  }
0x32: {  	s18 =	rddreg [dreg:$0xd];
	[sflag:s22] =	ssyncadd.s32 $0xFFFFC000  }
0x33: {  	[tilespmem:s21], [sflag:$0x3] =	stream.linear.gather [hbm4b:s18+s3], $0x4000, $0x38;
	[tilespmem:$0x1ED00] =	vst v63  }
0x34: {  	_ =	swait.ge [sflag:s22], $0x4000  }
0x35: {  	[sflag:s22] =	ssyncset.done $0x0  }
0x36: {  	s19 =	rddreg [dreg:$0xe];
	[sflag:s22] =	ssyncadd.s32 $0xFFFFC000  }
0x37: {  	[spmem:s19] =	stream.linear.scatter [tilespmem:s21], [sflag:$0x3], $0x4000, $0x38;
	[tilespmem:$0x1ED00] =	vst v63  }
0x38: {  	_ =	swait.ge [sflag:s22], $0x4000  }
0x39: {  	[sflag:s22] =	ssyncset.done $0x0  }
0x3a: {  	s20 =	rddreg [dreg:$0xf];
	[sflag:s22] =	ssyncadd.s32 $0xFFFFC000  }
0x3b: {  	[tilespmem:s21], [sflag:$0x3] =	stream.linear.gather [hbm4b:s20+s3], $0x4000, $0x38;
	[tilespmem:$0x1ED00] =	vst v63  }
0x3c: {  	_ =	swait.ge [sflag:s22], $0x4000  }
0x3d: {  	[sflag:s22] =	ssyncset.done $0x0  }
0x3e: {  	s15 =	rddreg [dreg:$0x10];
	[sflag:s22] =	ssyncadd.s32 $0xFFFFC000  }
0x3f: {  	[spmem:s15] =	stream.linear.scatter [tilespmem:s21], [sflag:$0x3], $0x4000, $0x38;
	[tilespmem:$0x1ED00] =	vst v63  }
0x40: {  	_ =	swait.ge [sflag:s22], $0x4000  }
0x41: {  	[sflag:s22] =	ssyncset.done $0x0  }
0x42: {  	s16 =	rddreg [dreg:$0x11];
	[sflag:s22] =	ssyncadd.s32 $0xFFFFC000  }
0x43: {  	[tilespmem:s21], [sflag:$0x3] =	stream.linear.gather [hbm4b:s16+s3], $0x4000, $0x38;
	[tilespmem:$0x1ED00] =	vst v63  }
0x44: {  	_ =	swait.ge [sflag:s22], $0x4000  }
0x45: {  	[sflag:s22] =	ssyncset.done $0x0  }
0x46: {  	s17 =	rddreg [dreg:$0x12];
	[sflag:s22] =	ssyncadd.s32 $0xFFFFC000  }
0x47: {  	[spmem:s17] =	stream.linear.scatter [tilespmem:s21], [sflag:$0x3], $0x4000, $0x38;
	[tilespmem:$0x1ED00] =	vst v63  }
0x48: {  	_ =	swait.ge [sflag:s22], $0x4000  }
0x49: {  	[sflag:s22] =	ssyncset.done $0x0  }
0x4a: {  	s18 =	rddreg [dreg:$0x5];
	[sflag:s22] =	ssyncadd.s32 $0xFFFFC000  }
0x4b: {  	[tilespmem:s3], [sflag:$0x3] =	stream.linear.gather [hbm4b:s18+s3], $0x2800, $0x38;
	[tilespmem:$0x1ED00] =	vst v63  }
0x4c: {  	_ =	swait.ge [sflag:s22], $0x2800  }
0x4d: {  	[sflag:s22] =	ssyncset.done $0x0  }
0x4e: {  	s19 =	rddreg [dreg:$0x6];
	[sflag:s22] =	ssyncadd.s32 $0xFFFFD800  }
0x4f: {  	[tilespmem:s23], [sflag:$0x3] =	stream.linear.gather [hbm4b:s19+s3], $0x280, $0x38;
	[tilespmem:$0x1ED00] =	vst v63  }
0x50: {  	_ =	swait.ge [sflag:s22], $0x280  }
0x51: {  	[sflag:s22] =	ssyncset.done $0x0  }
0x52: {  	s15 =	simm.s32 $0xAC80;
	s20 =	rddreg [dreg:$0x7];
	[sflag:s22] =	ssyncadd.s32 $0xFFFFFD80  }
0x53: {  	[tilespmem:s15], [sflag:$0x3] =	stream.linear.gather [hbm4b:s20+s3], $0x80, $0x38;
	[tilespmem:$0x1ED00] =	vst v63  }
0x54: {  	_ =	swait.ge [sflag:s22], $0x80  }
0x55: {  	[sflag:s22] =	ssyncset.done $0x0  }
0x56: {  	[sflag:s22] =	ssyncadd.s32 $0xFFFFFF80  }
0x57: {  	[bflag:$0x0] =	sbarrier.arrive $0xFFFF  }
0x58: {  	v0 =	vld [tilespmem:$0x0];
	_ =	sdelay $0x1  }
0x59: {  	v1 =	vld [tilespmem:$0x10];
	_ =	sdelay $0x1  }
0x5a: {  	v2 =	vld [tilespmem:$0x20]  }
0x5b: {  	v3 =	vand.u32 $0xFFFF, v0  }
0x5c: {  	v0 =	vshrl.u32 v0, $0x10;
	[tilespmem:$0x2800] =	vst v3;
	v3 =	vld [tilespmem:$0x30]  }
0x5d: {  	[tilespmem:$0x2880] =	vst v0;
	v0 =	vand.u32 $0xFFFF, v1  }
0x5e: {  	[tilespmem:$0x2810] =	vst v0;
	v0 =	vshrl.u32 v1, $0x10;
	v1 =	vld [tilespmem:$0x40]  }
0x5f: {  	[tilespmem:$0x2890] =	vst v0;
	v0 =	vand.u32 $0xFFFF, v2  }
0x60: {  	[tilespmem:$0x2820] =	vst v0;
	v0 =	vshrl.u32 v2, $0x10;
	v2 =	vld [tilespmem:$0x50]  }
0x61: {  	[tilespmem:$0x28A0] =	vst v0;
	v0 =	vand.u32 $0xFFFF, v3  }
0x62: {  	[tilespmem:$0x2830] =	vst v0;
	v0 =	vshrl.u32 v3, $0x10;
	v3 =	vld [tilespmem:$0x60]  }
0x63: {  	[tilespmem:$0x28B0] =	vst v0;
	v0 =	vand.u32 $0xFFFF, v1  }
0x64: {  	[tilespmem:$0x2840] =	vst v0;
	v0 =	vshrl.u32 v1, $0x10;
	v1 =	vld [tilespmem:$0x70]  }
0x65: {  	[tilespmem:$0x28C0] =	vst v0;
	v0 =	vand.u32 $0xFFFF, v2  }
0x66: {  	[tilespmem:$0x2850] =	vst v0;
	v0 =	vshrl.u32 v2, $0x10  }
0x67: {  	[tilespmem:$0x28D0] =	vst v0;
	v0 =	vand.u32 $0xFFFF, v3  }
0x68: {  	[tilespmem:$0x2860] =	vst v0;
	v0 =	vshrl.u32 v3, $0x10  }
0x69: {  	[tilespmem:$0x28E0] =	vst v0;
	v0 =	vand.u32 $0xFFFF, v1  }
0x6a: {  	[tilespmem:$0x2870] =	vst v0;
	v0 =	vshrl.u32 v1, $0x10  }
0x6b: {  	[tilespmem:$0x28F0] =	vst v0  }
0x6c: {  	[tilespmem:s21], [sflag:$0x1] =	stream.indirect.gather [hbm4b:s5+s25], $0x80, s26, s25, $0xb8;
	[tilespmem:$0x1ED00] =	vst v63  }
0x6d: {  	s14 =	simm.s32 $0xF0  }
0x6e: {  	[tilespmem:s29], [sflag:$0x1] =	stream.indirect.gather [hbm4b:s5+s25], $0x80, s28, s25, $0xb8;
	[tilespmem:$0x1ED00] =	vst v63  }
0x6f: {  	v0 =	vld [tilespmem:s14+$0xFFFFFF90];
	_ =	sdelay $0x4  }
0x70: {  	v1 =	vand.u32 $0xFFFF, v0  }
0x71: {  	v0 =	vshrl.u32 v0, $0x10;
	[tilespmem:$0x2900] =	vst v1  }
0x72: {  	[tilespmem:$0x2980] =	vst v0  }
0x73: {  	v0 =	vld [tilespmem:s14+$0xFFFFFFA0];
	_ =	sdelay $0x4  }
0x74: {  	v1 =	vand.u32 $0xFFFF, v0  }
0x75: {  	v0 =	vshrl.u32 v0, $0x10;
	[tilespmem:$0x2910] =	vst v1  }
0x76: {  	[tilespmem:$0x2990] =	vst v0  }
0x77: {  	v0 =	vld [tilespmem:s14+$0xFFFFFFB0];
	_ =	sdelay $0x4  }
0x78: {  	v1 =	vand.u32 $0xFFFF, v0  }
0x79: {  	v0 =	vshrl.u32 v0, $0x10;
	[tilespmem:$0x2920] =	vst v1  }
0x7a: {  	[tilespmem:$0x29A0] =	vst v0  }
0x7b: {  	v0 =	vld [tilespmem:s14+$0xFFFFFFC0];
	_ =	sdelay $0x4  }
0x7c: {  	v1 =	vand.u32 $0xFFFF, v0  }
0x7d: {  	v0 =	vshrl.u32 v0, $0x10;
	[tilespmem:$0x2930] =	vst v1  }
0x7e: {  	[tilespmem:$0x29B0] =	vst v0  }
0x7f: {  	v0 =	vld [tilespmem:s14+$0xFFFFFFD0];
	_ =	sdelay $0x4  }
0x80: {  	v1 =	vand.u32 $0xFFFF, v0  }
0x81: {  	v0 =	vshrl.u32 v0, $0x10;
	[tilespmem:$0x2940] =	vst v1  }
0x82: {  	[tilespmem:$0x29C0] =	vst v0  }
0x83: {  	v0 =	vld [tilespmem:s14+$0xFFFFFFE0];
	_ =	sdelay $0x4  }
0x84: {  	v1 =	vand.u32 $0xFFFF, v0  }
0x85: {  	v0 =	vshrl.u32 v0, $0x10;
	[tilespmem:$0x2950] =	vst v1  }
0x86: {  	[tilespmem:$0x29D0] =	vst v0  }
0x87: {  	v0 =	vld [tilespmem:s14+$0xFFFFFFF0];
	_ =	sdelay $0x4  }
0x88: {  	v1 =	vand.u32 $0xFFFF, v0  }
0x89: {  	v0 =	vshrl.u32 v0, $0x10;
	[tilespmem:$0x2960] =	vst v1  }
0x8a: {  	[tilespmem:$0x29E0] =	vst v0  }
0x8b: {  	v0 =	vld [tilespmem:s14+$0x0];
	_ =	sdelay $0x4  }
0x8c: {  	v1 =	vand.u32 $0xFFFF, v0  }
0x8d: {  	v0 =	vshrl.u32 v0, $0x10;
	[tilespmem:$0x2970] =	vst v1  }
0x8e: {  	[tilespmem:$0x29F0] =	vst v0  }
0x8f: {  	[tilespmem:s31], [sflag:$0x2] =	stream.indirect.gather [hbm4b:s5+s25], $0x80, s30, s25, $0xb8;
	[tilespmem:$0x1ED00] =	vst v63  }
0x90: {  	_ = 	snop  }
0x91: {  	[tilespmem:s1], [sflag:$0x2] =	stream.indirect.gather [hbm4b:s5+s25], $0x80, s0, s25, $0xb8;
	[tilespmem:$0x1ED00] =	vst v63  }
0x92: {  	_ =	swait.ge [sflag:s24], $0x4000  }
0x93: {  	[sflag:s24] =	ssyncset.done $0x0  }
0x94: {  	[sflag:s24] =	ssyncadd.s32 $0xFFFFC000  }
0x95: {  	[spmem:s2] =	stream.indirect.scatter.add.f32 [tilespmem:s21], [sflag:$0x3], $0x80, s7, s6, $0xb8;
	[tilespmem:$0x1ED00] =	vst v63  }
0x96: {  	_ =	swait.ge [sflag:s22], $0x4000  }
0x97: {  	p0 =	por $0x0, $0x0;
	s15 =	simm.s32 $0x100;
	[sflag:s22] =	ssyncset.done $0x0  }
0x98: {  	s15 =	simm.s32 @p0 $0x0;
	[sflag:s22] =	ssyncadd.s32 $0xFFFFC000  }
0x99: {  	v0 =	vld [tilespmem:s15+$0x0];
	_ =	sdelay $0x4  }
0x9a: {  	v1 =	vand.u32 $0xFFFF, v0  }
0x9b: {  	v0 =	vshrl.u32 v0, $0x10;
	[tilespmem:$0x2800] =	vst v1  }
0x9c: {  	[tilespmem:$0x2880] =	vst v0  }
0x9d: {  	v0 =	vld [tilespmem:s15+$0x10];
	_ =	sdelay $0x4  }
0x9e: {  	v1 =	vand.u32 $0xFFFF, v0  }
0x9f: {  	v0 =	vshrl.u32 v0, $0x10;
	[tilespmem:$0x2810] =	vst v1  }
0xa0: {  	[tilespmem:$0x2890] =	vst v0  }
0xa1: {  	v0 =	vld [tilespmem:s15+$0x20];
	_ =	sdelay $0x4  }
0xa2: {  	v1 =	vand.u32 $0xFFFF, v0  }
0xa3: {  	v0 =	vshrl.u32 v0, $0x10;
	[tilespmem:$0x2820] =	vst v1  }
0xa4: {  	[tilespmem:$0x28A0] =	vst v0  }
0xa5: {  	v0 =	vld [tilespmem:s15+$0x30];
	_ =	sdelay $0x4  }
0xa6: {  	v1 =	vand.u32 $0xFFFF, v0  }
0xa7: {  	v0 =	vshrl.u32 v0, $0x10;
	[tilespmem:$0x2830] =	vst v1  }
0xa8: {  	[tilespmem:$0x28B0] =	vst v0  }
0xa9: {  	v0 =	vld [tilespmem:s15+$0x40];
	_ =	sdelay $0x4  }
0xaa: {  	v1 =	vand.u32 $0xFFFF, v0  }
0xab: {  	v0 =	vshrl.u32 v0, $0x10;
	[tilespmem:$0x2840] =	vst v1  }
0xac: {  	[tilespmem:$0x28C0] =	vst v0  }
0xad: {  	v0 =	vld [tilespmem:s15+$0x50];
	_ =	sdelay $0x4  }
0xae: {  	v1 =	vand.u32 $0xFFFF, v0  }
0xaf: {  	v0 =	vshrl.u32 v0, $0x10;
	[tilespmem:$0x2850] =	vst v1  }
0xb0: {  	[tilespmem:$0x28D0] =	vst v0  }
0xb1: {  	v0 =	vld [tilespmem:s15+$0x60];
	_ =	sdelay $0x4  }
0xb2: {  	v1 =	vand.u32 $0xFFFF, v0  }
0xb3: {  	v0 =	vshrl.u32 v0, $0x10;
	[tilespmem:$0x2860] =	vst v1  }
0xb4: {  	[tilespmem:$0x28E0] =	vst v0  }
0xb5: {  	v0 =	vld [tilespmem:s15+$0x70];
	s15 =	simm.s32 $0x200  }
.LBB2_2:
0xb6: {  	p0 =	sne.s32 s15, $0x2800  }
0xb7: {  	s14 =	sadd.s32 $0x100, s14;
	s16 =	smov.u32 s15;
	s15 =	sadd.s32 $0x100, s15  }
0xb8: {  	_ =	sdelay $0x2  }
0xb9: {  	v1 =	vand.u32 $0xFFFF, v0;
	v0 =	vshrl.u32 v0, $0x10  }
0xba: {  	[tilespmem:$0x2870] =	vst v1  }
0xbb: {  	[tilespmem:$0x28F0] =	vst v0  }
0xbc: {  	[tilespmem:s21], [sflag:$0x1] =	stream.indirect.gather [hbm4b:s5+s25], $0x80, s26, s25, $0xb8;
	[tilespmem:$0x1ED00] =	vst v63  }
0xbd: {  	_ = 	snop  }
0xbe: {  	[tilespmem:s29], [sflag:$0x1] =	stream.indirect.gather [hbm4b:s5+s25], $0x80, s28, s25, $0xb8;
	[tilespmem:$0x1ED00] =	vst v63  }
0xbf: {  	_ =	swait.ge [sflag:s8], $0x4000  }
0xc0: {  	[sflag:s8] =	ssyncset.done $0x0  }
0xc1: {  	[sflag:s8] =	ssyncadd.s32 $0xFFFFC000  }
0xc2: {  	[spmem:s2] =	stream.indirect.scatter.add.f32 [tilespmem:s31], [sflag:$0x3], $0x80, s10, s6, $0xb8;
	[tilespmem:$0x1ED00] =	vst v63  }
0xc3: {  	_ =	swait.ge [sflag:s22], $0x4000  }
0xc4: {  	[sflag:s22] =	ssyncset.done $0x0  }
0xc5: {  	[sflag:s22] =	ssyncadd.s32 $0xFFFFC000  }
0xc6: {  	v0 =	vld [tilespmem:s14+$0xFFFFFF90];
	_ =	sdelay $0x4  }
0xc7: {  	v1 =	vand.u32 $0xFFFF, v0;
	v0 =	vshrl.u32 v0, $0x10  }
0xc8: {  	[tilespmem:$0x2900] =	vst v1  }
0xc9: {  	[tilespmem:$0x2980] =	vst v0  }
0xca: {  	v0 =	vld [tilespmem:s14+$0xFFFFFFA0];
	_ =	sdelay $0x4  }
0xcb: {  	v1 =	vand.u32 $0xFFFF, v0;
	v0 =	vshrl.u32 v0, $0x10  }
0xcc: {  	[tilespmem:$0x2910] =	vst v1  }
0xcd: {  	[tilespmem:$0x2990] =	vst v0  }
0xce: {  	v0 =	vld [tilespmem:s14+$0xFFFFFFB0];
	_ =	sdelay $0x4  }
0xcf: {  	v1 =	vand.u32 $0xFFFF, v0;
	v0 =	vshrl.u32 v0, $0x10  }
0xd0: {  	[tilespmem:$0x2920] =	vst v1  }
0xd1: {  	[tilespmem:$0x29A0] =	vst v0  }
0xd2: {  	v0 =	vld [tilespmem:s14+$0xFFFFFFC0];
	_ =	sdelay $0x4  }
0xd3: {  	v1 =	vand.u32 $0xFFFF, v0;
	v0 =	vshrl.u32 v0, $0x10  }
0xd4: {  	[tilespmem:$0x2930] =	vst v1  }
0xd5: {  	[tilespmem:$0x29B0] =	vst v0  }
0xd6: {  	v0 =	vld [tilespmem:s14+$0xFFFFFFD0];
	_ =	sdelay $0x4  }
0xd7: {  	v1 =	vand.u32 $0xFFFF, v0;
	v0 =	vshrl.u32 v0, $0x10  }
0xd8: {  	[tilespmem:$0x2940] =	vst v1  }
0xd9: {  	[tilespmem:$0x29C0] =	vst v0  }
0xda: {  	v0 =	vld [tilespmem:s14+$0xFFFFFFE0];
	_ =	sdelay $0x4  }
0xdb: {  	v1 =	vand.u32 $0xFFFF, v0;
	v0 =	vshrl.u32 v0, $0x10  }
0xdc: {  	[tilespmem:$0x2950] =	vst v1  }
0xdd: {  	[tilespmem:$0x29D0] =	vst v0  }
0xde: {  	v0 =	vld [tilespmem:s14+$0xFFFFFFF0];
	_ =	sdelay $0x4  }
0xdf: {  	v1 =	vand.u32 $0xFFFF, v0;
	v0 =	vshrl.u32 v0, $0x10  }
0xe0: {  	[tilespmem:$0x2960] =	vst v1  }
0xe1: {  	[tilespmem:$0x29E0] =	vst v0  }
0xe2: {  	v0 =	vld [tilespmem:s14+$0x0];
	_ =	sdelay $0x4  }
0xe3: {  	v1 =	vand.u32 $0xFFFF, v0;
	v0 =	vshrl.u32 v0, $0x10  }
0xe4: {  	[tilespmem:$0x2970] =	vst v1  }
0xe5: {  	p1 =	seq.s32 s16, $0x2800;
	[tilespmem:$0x29F0] =	vst v0  }
0xe6: {  	[tilespmem:s31], [sflag:$0x2] =	stream.indirect.gather [hbm4b:s5+s25], $0x80, s30, s25, $0xb8;
	[tilespmem:$0x1ED00] =	vst v63  }
0xe7: {  	s16 =	simm.s32 @p1 $0x0  }
0xe8: {  	[tilespmem:s1], [sflag:$0x2] =	stream.indirect.gather [hbm4b:s5+s25], $0x80, s0, s25, $0xb8;
	[tilespmem:$0x1ED00] =	vst v63  }
0xe9: {  	_ =	swait.ge [sflag:s24], $0x4000  }
0xea: {  	[sflag:s24] =	ssyncset.done $0x0  }
0xeb: {  	[sflag:s24] =	ssyncadd.s32 $0xFFFFC000  }
0xec: {  	[spmem:s2] =	stream.indirect.scatter.add.f32 [tilespmem:s21], [sflag:$0x3], $0x80, s7, s6, $0xb8;
	[tilespmem:$0x1ED00] =	vst v63  }
0xed: {  	_ =	swait.ge [sflag:s22], $0x4000  }
0xee: {  	[sflag:s22] =	ssyncset.done $0x0  }
0xef: {  	[sflag:s22] =	ssyncadd.s32 $0xFFFFC000  }
0xf0: {  	v0 =	vld [tilespmem:s16+$0x0];
	_ =	sdelay $0x4  }
0xf1: {  	v1 =	vand.u32 $0xFFFF, v0;
	v0 =	vshrl.u32 v0, $0x10  }
0xf2: {  	[tilespmem:$0x2800] =	vst v1  }
0xf3: {  	[tilespmem:$0x2880] =	vst v0  }
0xf4: {  	v0 =	vld [tilespmem:s16+$0x10];
	_ =	sdelay $0x4  }
0xf5: {  	v1 =	vand.u32 $0xFFFF, v0;
	v0 =	vshrl.u32 v0, $0x10  }
0xf6: {  	[tilespmem:$0x2810] =	vst v1  }
0xf7: {  	[tilespmem:$0x2890] =	vst v0  }
0xf8: {  	v0 =	vld [tilespmem:s16+$0x20];
	_ =	sdelay $0x4  }
0xf9: {  	v1 =	vand.u32 $0xFFFF, v0;
	v0 =	vshrl.u32 v0, $0x10  }
0xfa: {  	[tilespmem:$0x2820] =	vst v1  }
0xfb: {  	[tilespmem:$0x28A0] =	vst v0  }
0xfc: {  	v0 =	vld [tilespmem:s16+$0x30];
	_ =	sdelay $0x4  }
0xfd: {  	v1 =	vand.u32 $0xFFFF, v0;
	v0 =	vshrl.u32 v0, $0x10  }
0xfe: {  	[tilespmem:$0x2830] =	vst v1  }
0xff: {  	[tilespmem:$0x28B0] =	vst v0  }
0x100: {  	v0 =	vld [tilespmem:s16+$0x40];
	_ =	sdelay $0x4  }
0x101: {  	v1 =	vand.u32 $0xFFFF, v0;
	v0 =	vshrl.u32 v0, $0x10  }
0x102: {  	[tilespmem:$0x2840] =	vst v1  }
0x103: {  	[tilespmem:$0x28C0] =	vst v0  }
0x104: {  	v0 =	vld [tilespmem:s16+$0x50];
	_ =	sdelay $0x4  }
0x105: {  	v1 =	vand.u32 $0xFFFF, v0;
	v0 =	vshrl.u32 v0, $0x10  }
0x106: {  	[tilespmem:$0x2850] =	vst v1  }
0x107: {  	[tilespmem:$0x28D0] =	vst v0  }
0x108: {  	v0 =	vld [tilespmem:s16+$0x60];
	_ =	sdelay $0x3  }
.Ltmp0:
0x109: {  	(pc) =	sbr.rel @p0 .LBB2_2-.Ltmp0, $4  }
0x10a: {  	v1 =	vand.u32 $0xFFFF, v0;
	v0 =	vshrl.u32 v0, $0x10  }
0x10b: {  	[tilespmem:$0x2860] =	vst v1  }
0x10c: {  	[tilespmem:$0x28E0] =	vst v0  }
0x10d: {  	v0 =	vld [tilespmem:s16+$0x70]  }
0x10e: {  	_ =	sdelay $0x3  }
0x10f: {  	v1 =	vand.u32 $0xFFFF, v0  }
0x110: {  	v63 =	vshrl.u32 v0, $0x10;
	[tilespmem:$0x2870] =	vst v1  }
0x111: {  	[tilespmem:$0x28F0] =	vst v63  }
0x112: {  	[tilespmem:s21], [sflag:$0x1] =	stream.indirect.gather [hbm4b:s5+s25], $0x80, s26, s25, $0xb8;
	[tilespmem:$0x1ED00] =	vst v63  }
0x113: {  	_ = 	snop  }
0x114: {  	[tilespmem:s29], [sflag:$0x1] =	stream.indirect.gather [hbm4b:s5+s25], $0x80, s28, s25, $0xb8;
	[tilespmem:$0x1ED00] =	vst v63  }
0x115: {  	_ =	swait.ge [sflag:s8], $0x4000  }
0x116: {  	[sflag:s8] =	ssyncset.done $0x0  }
0x117: {  	[sflag:s8] =	ssyncadd.s32 $0xFFFFC000  }
0x118: {  	[spmem:s2] =	stream.indirect.scatter.add.f32 [tilespmem:s31], [sflag:$0x3], $0x80, s10, s6, $0xb8;
	[tilespmem:$0x1ED00] =	vst v63  }
0x119: {  	_ =	swait.ge [sflag:s22], $0x4000  }
0x11a: {  	[sflag:s22] =	ssyncset.done $0x0  }
0x11b: {  	[sflag:s22] =	ssyncadd.s32 $0xFFFFC000  }
0x11c: {  	_ =	swait.ge [sflag:s24], $0x4000  }
0x11d: {  	[sflag:s24] =	ssyncset.done $0x0  }
0x11e: {  	[sflag:s24] =	ssyncadd.s32 $0xFFFFC000  }
0x11f: {  	s14 =	simm.s32 $0x0;
	s15 =	simm.s32 $0x0;
	[bflag:$0x0] =	sbarrier.arrive $0xFFFF  }
.LBB2_4:
0x120: {  	s16 =	sshll.u32 s15, $0x7;
	s18 =	sadd.s32 $0x0, s14  }
0x121: {  	s16 =	sadd.s32 s4, s16;
	v0 =	vmov s18  }
0x122: {  	s17 =	sshll.u32 s16, $0x7;
	v0 =	vand.u32 $0xFFFFFFFC, v0  }
0x123: {  	s17 =	sand.u32 $0x3FFFFF80, s17;
	v0 =	vbroadcast v0, $0x0  }
0x124: {  	s17 =	sadd.s32 s17, s2  }
0x125: {  	[tilespmem:s21], [sflag:$0x3] =	stream.linear.gather [spmem:s17], $0x4000, $0x38;
	[tilespmem:$0x1ED00] =	vst v63  }
0x126: {  	_ =	swait.ge [sflag:s22], $0x4000  }
0x127: {  	[sflag:s22] =	ssyncset.done $0x0  }
0x128: {  	[sflag:s22] =	ssyncadd.s32 $0xFFFFC000  }
0x129: {  	s17 =	simm.s32 $0x2B00;
	v0 =	vld.idx.msk [tilespmem:v0+s23+$0x0], $0xffff  }
0x12a: {  	v1 =	vld [tilespmem:s17+$0xFFFFFF00];
	_ =	sdelay $0x1  }
0x12b: {  	v2 =	vld [tilespmem:$0xAC80];
	_ =	sdelay $0x2  }
0x12c: {  	v1 =	vmul.f32 v1, v0;
	_ =	sdelay $0x1  }
0x12d: {  	v1 =	vadd.f32 v2, v1  }
0x12e: {  	v2 =	vld [tilespmem:s17+$0xFFFFFF10]  }
0x12f: {  	[tilespmem:s17+$0xFFFFFF00] =	vst v1  }
0x130: {  	v1 =	vld [tilespmem:$0xAC90];
	_ =	sdelay $0x2  }
0x131: {  	v2 =	vmul.f32 v2, v0;
	_ =	sdelay $0x1  }
0x132: {  	v1 =	vadd.f32 v1, v2  }
0x133: {  	v2 =	vld [tilespmem:s17+$0xFFFFFF20]  }
0x134: {  	[tilespmem:s17+$0xFFFFFF10] =	vst v1  }
0x135: {  	v1 =	vld [tilespmem:$0xACA0];
	_ =	sdelay $0x2  }
0x136: {  	v2 =	vmul.f32 v2, v0;
	_ =	sdelay $0x1  }
0x137: {  	v1 =	vadd.f32 v1, v2  }
0x138: {  	v2 =	vld [tilespmem:s17+$0xFFFFFF30]  }
0x139: {  	[tilespmem:s17+$0xFFFFFF20] =	vst v1  }
0x13a: {  	v1 =	vld [tilespmem:$0xACB0];
	_ =	sdelay $0x2  }
0x13b: {  	v2 =	vmul.f32 v2, v0;
	_ =	sdelay $0x1  }
0x13c: {  	v1 =	vadd.f32 v1, v2  }
0x13d: {  	v2 =	vld [tilespmem:s17+$0xFFFFFF40]  }
0x13e: {  	[tilespmem:s17+$0xFFFFFF30] =	vst v1  }
0x13f: {  	v1 =	vld [tilespmem:$0xACC0];
	_ =	sdelay $0x2  }
0x140: {  	v2 =	vmul.f32 v2, v0;
	_ =	sdelay $0x1  }
0x141: {  	v1 =	vadd.f32 v1, v2  }
0x142: {  	v2 =	vld [tilespmem:s17+$0xFFFFFF50]  }
0x143: {  	[tilespmem:s17+$0xFFFFFF40] =	vst v1  }
0x144: {  	v1 =	vld [tilespmem:$0xACD0];
	_ =	sdelay $0x2  }
0x145: {  	v2 =	vmul.f32 v2, v0;
	_ =	sdelay $0x1  }
0x146: {  	v1 =	vadd.f32 v1, v2  }
0x147: {  	v2 =	vld [tilespmem:s17+$0xFFFFFF60]  }
0x148: {  	[tilespmem:s17+$0xFFFFFF50] =	vst v1  }
0x149: {  	v1 =	vld [tilespmem:$0xACE0];
	_ =	sdelay $0x2  }
0x14a: {  	v2 =	vmul.f32 v2, v0;
	_ =	sdelay $0x1  }
0x14b: {  	v1 =	vadd.f32 v1, v2  }
0x14c: {  	v2 =	vld [tilespmem:s17+$0xFFFFFF70]  }
0x14d: {  	s19 =	sadd.s32 $0x1, s18;
	[tilespmem:s17+$0xFFFFFF60] =	vst v1  }
0x14e: {  	v1 =	vmov s19;
	v3 =	vld [tilespmem:$0xACF0]  }
0x14f: {  	v1 =	vand.u32 $0xFFFFFFFD, v1  }
0x150: {  	v1 =	vbroadcast v1, $0x0  }
0x151: {  	v0 =	vmul.f32 v2, v0;
	_ =	sdelay $0x1  }
0x152: {  	v0 =	vadd.f32 v3, v0;
	_ =	sdelay $0x1  }
0x153: {  	[tilespmem:s17+$0xFFFFFF70] =	vst v0  }
0x154: {  	v0 =	vld.idx.msk [tilespmem:v1+s23+$0x0], $0xffff  }
0x155: {  	v1 =	vld [tilespmem:s17+$0xFFFFFF80];
	_ =	sdelay $0x1  }
0x156: {  	v2 =	vld [tilespmem:$0xAC80];
	_ =	sdelay $0x2  }
0x157: {  	v1 =	vmul.f32 v1, v0;
	_ =	sdelay $0x1  }
0x158: {  	v1 =	vadd.f32 v2, v1  }
0x159: {  	v2 =	vld [tilespmem:s17+$0xFFFFFF90]  }
0x15a: {  	[tilespmem:s17+$0xFFFFFF80] =	vst v1  }
0x15b: {  	v1 =	vld [tilespmem:$0xAC90];
	_ =	sdelay $0x2  }
0x15c: {  	v2 =	vmul.f32 v2, v0;
	_ =	sdelay $0x1  }
0x15d: {  	v1 =	vadd.f32 v1, v2  }
0x15e: {  	v2 =	vld [tilespmem:s17+$0xFFFFFFA0]  }
0x15f: {  	[tilespmem:s17+$0xFFFFFF90] =	vst v1  }
0x160: {  	v1 =	vld [tilespmem:$0xACA0];
	_ =	sdelay $0x2  }
0x161: {  	v2 =	vmul.f32 v2, v0;
	_ =	sdelay $0x1  }
0x162: {  	v1 =	vadd.f32 v1, v2  }
0x163: {  	v2 =	vld [tilespmem:s17+$0xFFFFFFB0]  }
0x164: {  	[tilespmem:s17+$0xFFFFFFA0] =	vst v1  }
0x165: {  	v1 =	vld [tilespmem:$0xACB0];
	_ =	sdelay $0x2  }
0x166: {  	v2 =	vmul.f32 v2, v0;
	_ =	sdelay $0x1  }
0x167: {  	v1 =	vadd.f32 v1, v2  }
0x168: {  	v2 =	vld [tilespmem:s17+$0xFFFFFFC0]  }
0x169: {  	[tilespmem:s17+$0xFFFFFFB0] =	vst v1  }
0x16a: {  	v1 =	vld [tilespmem:$0xACC0];
	_ =	sdelay $0x2  }
0x16b: {  	v2 =	vmul.f32 v2, v0;
	_ =	sdelay $0x1  }
0x16c: {  	v1 =	vadd.f32 v1, v2  }
0x16d: {  	v2 =	vld [tilespmem:s17+$0xFFFFFFD0]  }
0x16e: {  	[tilespmem:s17+$0xFFFFFFC0] =	vst v1  }
0x16f: {  	v1 =	vld [tilespmem:$0xACD0];
	_ =	sdelay $0x2  }
0x170: {  	v2 =	vmul.f32 v2, v0;
	_ =	sdelay $0x1  }
0x171: {  	v1 =	vadd.f32 v1, v2  }
0x172: {  	v2 =	vld [tilespmem:s17+$0xFFFFFFE0]  }
0x173: {  	[tilespmem:s17+$0xFFFFFFD0] =	vst v1  }
0x174: {  	v1 =	vld [tilespmem:$0xACE0];
	_ =	sdelay $0x2  }
0x175: {  	v2 =	vmul.f32 v2, v0;
	_ =	sdelay $0x1  }
0x176: {  	v1 =	vadd.f32 v1, v2  }
0x177: {  	v2 =	vld [tilespmem:s17+$0xFFFFFFF0]  }
0x178: {  	s20 =	sadd.s32 $0x2, s18;
	[tilespmem:s17+$0xFFFFFFE0] =	vst v1  }
0x179: {  	v1 =	vmov s20;
	v3 =	vld [tilespmem:$0xACF0]  }
0x17a: {  	v1 =	vand.u32 $0xFFFFFFFE, v1  }
0x17b: {  	v1 =	vbroadcast v1, $0x0  }
0x17c: {  	v0 =	vmul.f32 v2, v0;
	_ =	sdelay $0x1  }
0x17d: {  	v0 =	vadd.f32 v3, v0;
	_ =	sdelay $0x1  }
0x17e: {  	[tilespmem:s17+$0xFFFFFFF0] =	vst v0  }
0x17f: {  	v0 =	vld.idx.msk [tilespmem:v1+s23+$0x0], $0xffff  }
0x180: {  	v1 =	vld [tilespmem:s17+$0x0];
	_ =	sdelay $0x1  }
0x181: {  	v2 =	vld [tilespmem:$0xAC80];
	_ =	sdelay $0x2  }
0x182: {  	v1 =	vmul.f32 v1, v0;
	_ =	sdelay $0x1  }
0x183: {  	v1 =	vadd.f32 v2, v1  }
0x184: {  	v2 =	vld [tilespmem:s17+$0x10]  }
0x185: {  	[tilespmem:s17+$0x0] =	vst v1  }
0x186: {  	v1 =	vld [tilespmem:$0xAC90];
	_ =	sdelay $0x2  }
0x187: {  	v2 =	vmul.f32 v2, v0;
	_ =	sdelay $0x1  }
0x188: {  	v1 =	vadd.f32 v1, v2  }
0x189: {  	v2 =	vld [tilespmem:s17+$0x20]  }
0x18a: {  	[tilespmem:s17+$0x10] =	vst v1  }
0x18b: {  	v1 =	vld [tilespmem:$0xACA0];
	_ =	sdelay $0x2  }
0x18c: {  	v2 =	vmul.f32 v2, v0;
	_ =	sdelay $0x1  }
0x18d: {  	v1 =	vadd.f32 v1, v2  }
0x18e: {  	v2 =	vld [tilespmem:s17+$0x30]  }
0x18f: {  	[tilespmem:s17+$0x20] =	vst v1  }
0x190: {  	v1 =	vld [tilespmem:$0xACB0];
	_ =	sdelay $0x2  }
0x191: {  	v2 =	vmul.f32 v2, v0;
	_ =	sdelay $0x1  }
0x192: {  	v1 =	vadd.f32 v1, v2  }
0x193: {  	v2 =	vld [tilespmem:s17+$0x40]  }
0x194: {  	[tilespmem:s17+$0x30] =	vst v1  }
0x195: {  	v1 =	vld [tilespmem:$0xACC0];
	_ =	sdelay $0x2  }
0x196: {  	v2 =	vmul.f32 v2, v0;
	_ =	sdelay $0x1  }
0x197: {  	v1 =	vadd.f32 v1, v2  }
0x198: {  	v2 =	vld [tilespmem:s17+$0x50]  }
0x199: {  	[tilespmem:s17+$0x40] =	vst v1  }
0x19a: {  	v1 =	vld [tilespmem:$0xACD0];
	_ =	sdelay $0x2  }
0x19b: {  	v2 =	vmul.f32 v2, v0;
	_ =	sdelay $0x1  }
0x19c: {  	v1 =	vadd.f32 v1, v2  }
0x19d: {  	v2 =	vld [tilespmem:s17+$0x60]  }
0x19e: {  	[tilespmem:s17+$0x50] =	vst v1  }
0x19f: {  	v1 =	vld [tilespmem:$0xACE0];
	_ =	sdelay $0x2  }
0x1a0: {  	v2 =	vmul.f32 v2, v0;
	_ =	sdelay $0x1  }
0x1a1: {  	v1 =	vadd.f32 v1, v2  }
0x1a2: {  	v2 =	vld [tilespmem:s17+$0x70]  }
0x1a3: {  	[tilespmem:s17+$0x60] =	vst v1  }
0x1a4: {  	v1 =	vld [tilespmem:$0xACF0];
	_ =	sdelay $0x1  }
0x1a5: {  	s18 =	sadd.s32 $0x3, s18  }
0x1a6: {  	v0 =	vmul.f32 v2, v0;
	v2 =	vmov s18;
	_ =	sdelay $0x1  }
0x1a7: {  	v0 =	vadd.f32 v1, v0;
	_ =	sdelay $0x1  }
0x1a8: {  	[tilespmem:s17+$0x70] =	vst v0;
	v0 =	vld [tilespmem:s17+$0x80]  }
0x1a9: {  	v1 =	vld.idx.msk [tilespmem:v2+s23+$0x0], $0xffff;
	_ =	sdelay $0x1  }
0x1aa: {  	v2 =	vld [tilespmem:$0xAC80];
	_ =	sdelay $0x2  }
0x1ab: {  	v0 =	vmul.f32 v0, v1;
	_ =	sdelay $0x1  }
0x1ac: {  	v0 =	vadd.f32 v2, v0  }
0x1ad: {  	v2 =	vld [tilespmem:s17+$0x90]  }
0x1ae: {  	[tilespmem:s17+$0x80] =	vst v0  }
0x1af: {  	v0 =	vld [tilespmem:$0xAC90];
	_ =	sdelay $0x2  }
0x1b0: {  	v2 =	vmul.f32 v2, v1;
	_ =	sdelay $0x1  }
0x1b1: {  	v0 =	vadd.f32 v0, v2  }
0x1b2: {  	v2 =	vld [tilespmem:s17+$0xA0]  }
0x1b3: {  	[tilespmem:s17+$0x90] =	vst v0  }
0x1b4: {  	v0 =	vld [tilespmem:$0xACA0];
	_ =	sdelay $0x2  }
0x1b5: {  	v2 =	vmul.f32 v2, v1;
	_ =	sdelay $0x1  }
0x1b6: {  	v0 =	vadd.f32 v0, v2  }
0x1b7: {  	v2 =	vld [tilespmem:s17+$0xB0]  }
0x1b8: {  	[tilespmem:s17+$0xA0] =	vst v0  }
0x1b9: {  	v0 =	vld [tilespmem:$0xACB0];
	_ =	sdelay $0x2  }
0x1ba: {  	v2 =	vmul.f32 v2, v1;
	_ =	sdelay $0x1  }
0x1bb: {  	v0 =	vadd.f32 v0, v2  }
0x1bc: {  	v2 =	vld [tilespmem:s17+$0xC0]  }
0x1bd: {  	[tilespmem:s17+$0xB0] =	vst v0  }
0x1be: {  	v0 =	vld [tilespmem:$0xACC0];
	_ =	sdelay $0x2  }
0x1bf: {  	v2 =	vmul.f32 v2, v1;
	_ =	sdelay $0x1  }
0x1c0: {  	v0 =	vadd.f32 v0, v2  }
0x1c1: {  	v2 =	vld [tilespmem:s17+$0xD0]  }
0x1c2: {  	[tilespmem:s17+$0xC0] =	vst v0  }
0x1c3: {  	v0 =	vld [tilespmem:$0xACD0];
	_ =	sdelay $0x2  }
0x1c4: {  	v2 =	vmul.f32 v2, v1;
	_ =	sdelay $0x1  }
0x1c5: {  	v0 =	vadd.f32 v0, v2  }
0x1c6: {  	v2 =	vld [tilespmem:s17+$0xE0]  }
0x1c7: {  	[tilespmem:s17+$0xD0] =	vst v0  }
0x1c8: {  	v0 =	vld [tilespmem:$0xACE0];
	_ =	sdelay $0x2  }
0x1c9: {  	v2 =	vmul.f32 v2, v1;
	_ =	sdelay $0x1  }
0x1ca: {  	v0 =	vadd.f32 v0, v2;
	v2 =	vld [tilespmem:s17+$0xF0];
	_ =	sdelay $0x1  }
0x1cb: {  	s18 =	sadd.s32 $0x4, s14;
	[tilespmem:s17+$0xE0] =	vst v0  }
0x1cc: {  	v0 =	vmov s18;
	v3 =	vld [tilespmem:$0xACF0]  }
0x1cd: {  	v0 =	vand.u32 $0xFFFFFFFC, v0  }
0x1ce: {  	v4 =	vmul.f32 v2, v1;
	v2 =	vbroadcast v0, $0x0  }
0x1cf: {  	s3 =	sadd.s32 $0x1, s18;
	s20 =	sadd.s32 $0x2, s18  }
0x1d0: {  	v5 =	vmov s20;
	v1 =	vmov s3  }
0x1d1: {  	s19 =	simm.s32 $0x8;
	s18 =	sadd.s32 $0x3, s18;
	v0 =	vand.u32 $0xFFFFFFFE, v5;
	v1 =	vand.u32 $0xFFFFFFFD, v1;
	v3 =	vadd.f32 v3, v4  }
.LBB2_5:
0x1d2: {  	p0 =	sne.s32 s19, $0x7C  }
0x1d3: {  	s20 =	smov.u32 s19;
	s19 =	sadd.s32 $0x4, s19;
	[tilespmem:s17+$0xF0] =	vst v3;
	s17 =	sadd.s32 $0x200, s17  }
0x1d4: {  	v2 =	vld.idx.msk [tilespmem:v2+s23+$0x0], $0xffff  }
0x1d5: {  	v3 =	vld [tilespmem:s17+$0xFFFFFF00];
	_ =	sdelay $0x1  }
0x1d6: {  	v4 =	vld [tilespmem:$0xAC80];
	_ =	sdelay $0x2  }
0x1d7: {  	v3 =	vmul.f32 v3, v2;
	_ =	sdelay $0x1  }
0x1d8: {  	v3 =	vadd.f32 v4, v3  }
0x1d9: {  	v4 =	vld [tilespmem:s17+$0xFFFFFF10]  }
0x1da: {  	[tilespmem:s17+$0xFFFFFF00] =	vst v3  }
0x1db: {  	v3 =	vld [tilespmem:$0xAC90];
	_ =	sdelay $0x2  }
0x1dc: {  	v4 =	vmul.f32 v4, v2;
	_ =	sdelay $0x1  }
0x1dd: {  	v3 =	vadd.f32 v3, v4  }
0x1de: {  	v4 =	vld [tilespmem:s17+$0xFFFFFF20]  }
0x1df: {  	[tilespmem:s17+$0xFFFFFF10] =	vst v3  }
0x1e0: {  	v3 =	vld [tilespmem:$0xACA0];
	_ =	sdelay $0x2  }
0x1e1: {  	v4 =	vmul.f32 v4, v2;
	_ =	sdelay $0x1  }
0x1e2: {  	v3 =	vadd.f32 v3, v4  }
0x1e3: {  	v4 =	vld [tilespmem:s17+$0xFFFFFF30]  }
0x1e4: {  	[tilespmem:s17+$0xFFFFFF20] =	vst v3  }
0x1e5: {  	v3 =	vld [tilespmem:$0xACB0];
	_ =	sdelay $0x2  }
0x1e6: {  	v4 =	vmul.f32 v4, v2;
	_ =	sdelay $0x1  }
0x1e7: {  	v3 =	vadd.f32 v3, v4  }
0x1e8: {  	v4 =	vld [tilespmem:s17+$0xFFFFFF40]  }
0x1e9: {  	[tilespmem:s17+$0xFFFFFF30] =	vst v3  }
0x1ea: {  	v3 =	vld [tilespmem:$0xACC0];
	_ =	sdelay $0x2  }
0x1eb: {  	v4 =	vmul.f32 v4, v2;
	_ =	sdelay $0x1  }
0x1ec: {  	v3 =	vadd.f32 v3, v4  }
0x1ed: {  	v4 =	vld [tilespmem:s17+$0xFFFFFF50]  }
0x1ee: {  	[tilespmem:s17+$0xFFFFFF40] =	vst v3  }
0x1ef: {  	v3 =	vld [tilespmem:$0xACD0];
	_ =	sdelay $0x2  }
0x1f0: {  	v4 =	vmul.f32 v4, v2;
	_ =	sdelay $0x1  }
0x1f1: {  	v3 =	vadd.f32 v3, v4  }
0x1f2: {  	v4 =	vld [tilespmem:s17+$0xFFFFFF60]  }
0x1f3: {  	[tilespmem:s17+$0xFFFFFF50] =	vst v3  }
0x1f4: {  	v3 =	vld [tilespmem:$0xACE0];
	_ =	sdelay $0x2  }
0x1f5: {  	v4 =	vmul.f32 v4, v2;
	_ =	sdelay $0x1  }
0x1f6: {  	v3 =	vadd.f32 v3, v4  }
0x1f7: {  	v4 =	vld [tilespmem:s17+$0xFFFFFF70]  }
0x1f8: {  	[tilespmem:s17+$0xFFFFFF60] =	vst v3  }
0x1f9: {  	v3 =	vld [tilespmem:$0xACF0];
	_ =	sdelay $0x1  }
0x1fa: {  	v1 =	vbroadcast v1, $0x0  }
0x1fb: {  	v2 =	vmul.f32 v4, v2;
	_ =	sdelay $0x1  }
0x1fc: {  	v2 =	vadd.f32 v3, v2;
	_ =	sdelay $0x1  }
0x1fd: {  	[tilespmem:s17+$0xFFFFFF70] =	vst v2  }
0x1fe: {  	v1 =	vld.idx.msk [tilespmem:v1+s23+$0x0], $0xffff  }
0x1ff: {  	v2 =	vld [tilespmem:s17+$0xFFFFFF80];
	_ =	sdelay $0x1  }
0x200: {  	v3 =	vld [tilespmem:$0xAC80];
	_ =	sdelay $0x2  }
0x201: {  	v2 =	vmul.f32 v2, v1;
	_ =	sdelay $0x1  }
0x202: {  	v2 =	vadd.f32 v3, v2  }
0x203: {  	v3 =	vld [tilespmem:s17+$0xFFFFFF90]  }
0x204: {  	[tilespmem:s17+$0xFFFFFF80] =	vst v2  }
0x205: {  	v2 =	vld [tilespmem:$0xAC90];
	_ =	sdelay $0x2  }
0x206: {  	v3 =	vmul.f32 v3, v1;
	_ =	sdelay $0x1  }
0x207: {  	v2 =	vadd.f32 v2, v3  }
0x208: {  	v3 =	vld [tilespmem:s17+$0xFFFFFFA0]  }
0x209: {  	[tilespmem:s17+$0xFFFFFF90] =	vst v2  }
0x20a: {  	v2 =	vld [tilespmem:$0xACA0];
	_ =	sdelay $0x2  }
0x20b: {  	v3 =	vmul.f32 v3, v1;
	_ =	sdelay $0x1  }
0x20c: {  	v2 =	vadd.f32 v2, v3  }
0x20d: {  	v3 =	vld [tilespmem:s17+$0xFFFFFFB0]  }
0x20e: {  	[tilespmem:s17+$0xFFFFFFA0] =	vst v2  }
0x20f: {  	v2 =	vld [tilespmem:$0xACB0];
	_ =	sdelay $0x2  }
0x210: {  	v3 =	vmul.f32 v3, v1;
	_ =	sdelay $0x1  }
0x211: {  	v2 =	vadd.f32 v2, v3  }
0x212: {  	v3 =	vld [tilespmem:s17+$0xFFFFFFC0]  }
0x213: {  	[tilespmem:s17+$0xFFFFFFB0] =	vst v2  }
0x214: {  	v2 =	vld [tilespmem:$0xACC0];
	_ =	sdelay $0x2  }
0x215: {  	v3 =	vmul.f32 v3, v1;
	_ =	sdelay $0x1  }
0x216: {  	v2 =	vadd.f32 v2, v3  }
0x217: {  	v3 =	vld [tilespmem:s17+$0xFFFFFFD0]  }
0x218: {  	[tilespmem:s17+$0xFFFFFFC0] =	vst v2  }
0x219: {  	v2 =	vld [tilespmem:$0xACD0];
	_ =	sdelay $0x2  }
0x21a: {  	v3 =	vmul.f32 v3, v1;
	_ =	sdelay $0x1  }
0x21b: {  	v2 =	vadd.f32 v2, v3  }
0x21c: {  	v3 =	vld [tilespmem:s17+$0xFFFFFFE0]  }
0x21d: {  	[tilespmem:s17+$0xFFFFFFD0] =	vst v2  }
0x21e: {  	v2 =	vld [tilespmem:$0xACE0];
	_ =	sdelay $0x2  }
0x21f: {  	v3 =	vmul.f32 v3, v1;
	_ =	sdelay $0x1  }
0x220: {  	v2 =	vadd.f32 v2, v3  }
0x221: {  	v3 =	vld [tilespmem:s17+$0xFFFFFFF0]  }
0x222: {  	[tilespmem:s17+$0xFFFFFFE0] =	vst v2  }
0x223: {  	v2 =	vld [tilespmem:$0xACF0];
	_ =	sdelay $0x1  }
0x224: {  	v0 =	vbroadcast v0, $0x0  }
0x225: {  	v1 =	vmul.f32 v3, v1;
	_ =	sdelay $0x1  }
0x226: {  	v1 =	vadd.f32 v2, v1;
	_ =	sdelay $0x1  }
0x227: {  	[tilespmem:s17+$0xFFFFFFF0] =	vst v1  }
0x228: {  	v0 =	vld.idx.msk [tilespmem:v0+s23+$0x0], $0xffff  }
0x229: {  	v1 =	vld [tilespmem:s17+$0x0];
	_ =	sdelay $0x1  }
0x22a: {  	v2 =	vld [tilespmem:$0xAC80];
	_ =	sdelay $0x2  }
0x22b: {  	v1 =	vmul.f32 v1, v0;
	_ =	sdelay $0x1  }
0x22c: {  	v1 =	vadd.f32 v2, v1  }
0x22d: {  	v2 =	vld [tilespmem:s17+$0x10]  }
0x22e: {  	[tilespmem:s17+$0x0] =	vst v1  }
0x22f: {  	v1 =	vld [tilespmem:$0xAC90];
	_ =	sdelay $0x2  }
0x230: {  	v2 =	vmul.f32 v2, v0;
	_ =	sdelay $0x1  }
0x231: {  	v1 =	vadd.f32 v1, v2  }
0x232: {  	v2 =	vld [tilespmem:s17+$0x20]  }
0x233: {  	[tilespmem:s17+$0x10] =	vst v1  }
0x234: {  	v1 =	vld [tilespmem:$0xACA0];
	_ =	sdelay $0x2  }
0x235: {  	v2 =	vmul.f32 v2, v0;
	_ =	sdelay $0x1  }
0x236: {  	v1 =	vadd.f32 v1, v2  }
0x237: {  	v2 =	vld [tilespmem:s17+$0x30]  }
0x238: {  	[tilespmem:s17+$0x20] =	vst v1  }
0x239: {  	v1 =	vld [tilespmem:$0xACB0];
	_ =	sdelay $0x2  }
0x23a: {  	v2 =	vmul.f32 v2, v0;
	_ =	sdelay $0x1  }
0x23b: {  	v1 =	vadd.f32 v1, v2  }
0x23c: {  	v2 =	vld [tilespmem:s17+$0x40]  }
0x23d: {  	[tilespmem:s17+$0x30] =	vst v1  }
0x23e: {  	v1 =	vld [tilespmem:$0xACC0];
	_ =	sdelay $0x2  }
0x23f: {  	v2 =	vmul.f32 v2, v0;
	_ =	sdelay $0x1  }
0x240: {  	v1 =	vadd.f32 v1, v2  }
0x241: {  	v2 =	vld [tilespmem:s17+$0x50]  }
0x242: {  	[tilespmem:s17+$0x40] =	vst v1  }
0x243: {  	v1 =	vld [tilespmem:$0xACD0];
	_ =	sdelay $0x2  }
0x244: {  	v2 =	vmul.f32 v2, v0;
	_ =	sdelay $0x1  }
0x245: {  	v1 =	vadd.f32 v1, v2  }
0x246: {  	v2 =	vld [tilespmem:s17+$0x60]  }
0x247: {  	[tilespmem:s17+$0x50] =	vst v1  }
0x248: {  	v1 =	vld [tilespmem:$0xACE0];
	_ =	sdelay $0x2  }
0x249: {  	v2 =	vmul.f32 v2, v0;
	_ =	sdelay $0x1  }
0x24a: {  	v1 =	vadd.f32 v1, v2  }
0x24b: {  	v2 =	vld [tilespmem:s17+$0x70]  }
0x24c: {  	[tilespmem:s17+$0x60] =	vst v1  }
0x24d: {  	v1 =	vld [tilespmem:$0xACF0];
	_ =	sdelay $0x2  }
0x24e: {  	v0 =	vmul.f32 v2, v0;
	v2 =	vmov s18;
	_ =	sdelay $0x1  }
0x24f: {  	v0 =	vadd.f32 v1, v0;
	_ =	sdelay $0x1  }
0x250: {  	[tilespmem:s17+$0x70] =	vst v0;
	v0 =	vld [tilespmem:s17+$0x80]  }
0x251: {  	v3 =	vld.idx.msk [tilespmem:v2+s23+$0x0], $0xffff  }
0x252: {  	v1 =	vld [tilespmem:$0xAC80];
	_ =	sdelay $0x4  }
0x253: {  	v0 =	vmul.f32 v0, v3;
	_ =	sdelay $0x1  }
0x254: {  	v0 =	vadd.f32 v1, v0  }
0x255: {  	v1 =	vld [tilespmem:s17+$0x90]  }
0x256: {  	[tilespmem:s17+$0x80] =	vst v0  }
0x257: {  	v0 =	vld [tilespmem:$0xAC90];
	_ =	sdelay $0x2  }
0x258: {  	v1 =	vmul.f32 v1, v3;
	_ =	sdelay $0x1  }
0x259: {  	v0 =	vadd.f32 v0, v1  }
0x25a: {  	v1 =	vld [tilespmem:s17+$0xA0]  }
0x25b: {  	[tilespmem:s17+$0x90] =	vst v0  }
0x25c: {  	v0 =	vld [tilespmem:$0xACA0];
	_ =	sdelay $0x2  }
0x25d: {  	v1 =	vmul.f32 v1, v3;
	_ =	sdelay $0x1  }
0x25e: {  	v0 =	vadd.f32 v0, v1  }
0x25f: {  	v1 =	vld [tilespmem:s17+$0xB0]  }
0x260: {  	[tilespmem:s17+$0xA0] =	vst v0  }
0x261: {  	v0 =	vld [tilespmem:$0xACB0];
	_ =	sdelay $0x2  }
0x262: {  	v1 =	vmul.f32 v1, v3;
	_ =	sdelay $0x1  }
0x263: {  	v0 =	vadd.f32 v0, v1  }
0x264: {  	v1 =	vld [tilespmem:s17+$0xC0]  }
0x265: {  	[tilespmem:s17+$0xB0] =	vst v0  }
0x266: {  	v0 =	vld [tilespmem:$0xACC0];
	_ =	sdelay $0x2  }
0x267: {  	v1 =	vmul.f32 v1, v3;
	_ =	sdelay $0x1  }
0x268: {  	v0 =	vadd.f32 v0, v1  }
0x269: {  	v1 =	vld [tilespmem:s17+$0xD0]  }
0x26a: {  	[tilespmem:s17+$0xC0] =	vst v0  }
0x26b: {  	v0 =	vld [tilespmem:$0xACD0];
	_ =	sdelay $0x2  }
0x26c: {  	v1 =	vmul.f32 v1, v3;
	_ =	sdelay $0x1  }
0x26d: {  	v0 =	vadd.f32 v0, v1  }
0x26e: {  	v1 =	vld [tilespmem:s17+$0xE0]  }
0x26f: {  	[tilespmem:s17+$0xD0] =	vst v0  }
0x270: {  	v0 =	vld [tilespmem:$0xACE0];
	_ =	sdelay $0x2  }
0x271: {  	v1 =	vmul.f32 v1, v3;
	_ =	sdelay $0x1  }
0x272: {  	v0 =	vadd.f32 v0, v1  }
0x273: {  	v4 =	vld [tilespmem:s17+$0xF0]  }
0x274: {  	s18 =	sadd.s32 s20, s14;
	[tilespmem:s17+$0xE0] =	vst v0  }
0x275: {  	s20 =	sadd.s32 $0x1, s18;
	s3 =	sadd.s32 $0x2, s18;
	v0 =	vmov s18;
	s18 =	sadd.s32 $0x3, s18;
	v5 =	vld [tilespmem:$0xACF0]  }
.Ltmp1:
0x276: {  	v6 =	vmov s3;
	v1 =	vmov s20;
	v0 =	vand.u32 $0xFFFFFFFC, v0;
	(pc) =	sbr.rel @p0 .LBB2_5-.Ltmp1, $3  }
0x277: {  	v1 =	vand.u32 $0xFFFFFFFD, v1;
	v2 =	vbroadcast v0, $0x0;
	v0 =	vand.u32 $0xFFFFFFFE, v6  }
0x278: {  	v3 =	vmul.f32 v4, v3;
	_ =	sdelay $0x1  }
0x279: {  	v3 =	vadd.f32 v5, v3  }
0x27a: {  	_ =	sdelay $0x1  }
0x27b: {  	s20 =	sadd.s32 $0x200, s17  }
0x27c: {  	[tilespmem:s17+$0xF0] =	vst v3;
	v27 =	vld [tilespmem:s20+$0xFFFFFF00]  }
0x27d: {  	v2 =	vld.idx.msk [tilespmem:v2+s23+$0x0], $0xffff;
	_ =	sdelay $0x1  }
0x27e: {  	v4 =	vld [tilespmem:$0xAC80];
	_ =	sdelay $0x2  }
0x27f: {  	v3 =	vmul.f32 v27, v2;
	_ =	sdelay $0x1  }
0x280: {  	v3 =	vadd.f32 v4, v3  }
0x281: {  	v28 =	vld [tilespmem:s20+$0xFFFFFF10]  }
0x282: {  	[tilespmem:s20+$0xFFFFFF00] =	vst v3  }
0x283: {  	v3 =	vld [tilespmem:$0xAC90];
	_ =	sdelay $0x2  }
0x284: {  	v4 =	vmul.f32 v28, v2;
	_ =	sdelay $0x1  }
0x285: {  	v3 =	vadd.f32 v3, v4  }
0x286: {  	v29 =	vld [tilespmem:s20+$0xFFFFFF20]  }
0x287: {  	[tilespmem:s20+$0xFFFFFF10] =	vst v3  }
0x288: {  	v3 =	vld [tilespmem:$0xACA0];
	_ =	sdelay $0x2  }
0x289: {  	v4 =	vmul.f32 v29, v2;
	_ =	sdelay $0x1  }
0x28a: {  	v3 =	vadd.f32 v3, v4  }
0x28b: {  	v30 =	vld [tilespmem:s20+$0xFFFFFF30]  }
0x28c: {  	[tilespmem:s20+$0xFFFFFF20] =	vst v3  }
0x28d: {  	v3 =	vld [tilespmem:$0xACB0];
	_ =	sdelay $0x2  }
0x28e: {  	v4 =	vmul.f32 v30, v2;
	_ =	sdelay $0x1  }
0x28f: {  	v3 =	vadd.f32 v3, v4  }
0x290: {  	v31 =	vld [tilespmem:s20+$0xFFFFFF40]  }
0x291: {  	[tilespmem:s20+$0xFFFFFF30] =	vst v3  }
0x292: {  	v3 =	vld [tilespmem:$0xACC0];
	_ =	sdelay $0x2  }
0x293: {  	v4 =	vmul.f32 v31, v2;
	_ =	sdelay $0x1  }
0x294: {  	v3 =	vadd.f32 v3, v4  }
0x295: {  	v32 =	vld [tilespmem:s20+$0xFFFFFF50]  }
0x296: {  	[tilespmem:s20+$0xFFFFFF40] =	vst v3  }
0x297: {  	v3 =	vld [tilespmem:$0xACD0];
	_ =	sdelay $0x2  }
0x298: {  	v4 =	vmul.f32 v32, v2;
	_ =	sdelay $0x1  }
0x299: {  	v3 =	vadd.f32 v3, v4  }
0x29a: {  	v33 =	vld [tilespmem:s20+$0xFFFFFF60]  }
0x29b: {  	[tilespmem:s20+$0xFFFFFF50] =	vst v3  }
0x29c: {  	v3 =	vld [tilespmem:$0xACE0];
	_ =	sdelay $0x2  }
0x29d: {  	v4 =	vmul.f32 v33, v2;
	_ =	sdelay $0x1  }
0x29e: {  	v3 =	vadd.f32 v3, v4  }
0x29f: {  	v34 =	vld [tilespmem:s20+$0xFFFFFF70]  }
0x2a0: {  	[tilespmem:s20+$0xFFFFFF60] =	vst v3  }
0x2a1: {  	v3 =	vld [tilespmem:$0xACF0];
	_ =	sdelay $0x1  }
0x2a2: {  	v1 =	vbroadcast v1, $0x0  }
0x2a3: {  	v2 =	vmul.f32 v34, v2;
	_ =	sdelay $0x1  }
0x2a4: {  	v2 =	vadd.f32 v3, v2;
	_ =	sdelay $0x1  }
0x2a5: {  	v35 =	vld [tilespmem:s20+$0xFFFFFF80];
	[tilespmem:s20+$0xFFFFFF70] =	vst v2  }
0x2a6: {  	v1 =	vld.idx.msk [tilespmem:v1+s23+$0x0], $0xffff;
	_ =	sdelay $0x1  }
0x2a7: {  	v36 =	vld [tilespmem:$0xAC80];
	_ =	sdelay $0x2  }
0x2a8: {  	v2 =	vmul.f32 v35, v1;
	_ =	sdelay $0x1  }
0x2a9: {  	v2 =	vadd.f32 v36, v2  }
0x2aa: {  	v37 =	vld [tilespmem:s20+$0xFFFFFF90]  }
0x2ab: {  	[tilespmem:s20+$0xFFFFFF80] =	vst v2  }
0x2ac: {  	v2 =	vld [tilespmem:$0xAC90];
	_ =	sdelay $0x2  }
0x2ad: {  	v3 =	vmul.f32 v37, v1;
	_ =	sdelay $0x1  }
0x2ae: {  	v2 =	vadd.f32 v2, v3  }
0x2af: {  	v38 =	vld [tilespmem:s20+$0xFFFFFFA0]  }
0x2b0: {  	[tilespmem:s20+$0xFFFFFF90] =	vst v2  }
0x2b1: {  	v2 =	vld [tilespmem:$0xACA0];
	_ =	sdelay $0x2  }
0x2b2: {  	v3 =	vmul.f32 v38, v1;
	_ =	sdelay $0x1  }
0x2b3: {  	v2 =	vadd.f32 v2, v3  }
0x2b4: {  	v39 =	vld [tilespmem:s20+$0xFFFFFFB0]  }
0x2b5: {  	[tilespmem:s20+$0xFFFFFFA0] =	vst v2  }
0x2b6: {  	v2 =	vld [tilespmem:$0xACB0];
	_ =	sdelay $0x2  }
0x2b7: {  	v3 =	vmul.f32 v39, v1;
	_ =	sdelay $0x1  }
0x2b8: {  	v2 =	vadd.f32 v2, v3  }
0x2b9: {  	v40 =	vld [tilespmem:s20+$0xFFFFFFC0]  }
0x2ba: {  	[tilespmem:s20+$0xFFFFFFB0] =	vst v2  }
0x2bb: {  	v2 =	vld [tilespmem:$0xACC0];
	_ =	sdelay $0x2  }
0x2bc: {  	v3 =	vmul.f32 v40, v1;
	_ =	sdelay $0x1  }
0x2bd: {  	v2 =	vadd.f32 v2, v3  }
0x2be: {  	v41 =	vld [tilespmem:s20+$0xFFFFFFD0]  }
0x2bf: {  	[tilespmem:s20+$0xFFFFFFC0] =	vst v2  }
0x2c0: {  	v2 =	vld [tilespmem:$0xACD0];
	_ =	sdelay $0x2  }
0x2c1: {  	v3 =	vmul.f32 v41, v1;
	_ =	sdelay $0x1  }
0x2c2: {  	v2 =	vadd.f32 v2, v3  }
0x2c3: {  	v42 =	vld [tilespmem:s20+$0xFFFFFFE0]  }
0x2c4: {  	[tilespmem:s20+$0xFFFFFFD0] =	vst v2  }
0x2c5: {  	v2 =	vld [tilespmem:$0xACE0];
	_ =	sdelay $0x2  }
0x2c6: {  	v3 =	vmul.f32 v42, v1;
	_ =	sdelay $0x1  }
0x2c7: {  	v2 =	vadd.f32 v2, v3  }
0x2c8: {  	v43 =	vld [tilespmem:s20+$0xFFFFFFF0]  }
0x2c9: {  	[tilespmem:s20+$0xFFFFFFE0] =	vst v2  }
0x2ca: {  	v2 =	vld [tilespmem:$0xACF0];
	_ =	sdelay $0x1  }
0x2cb: {  	v0 =	vbroadcast v0, $0x0  }
0x2cc: {  	v1 =	vmul.f32 v43, v1;
	_ =	sdelay $0x1  }
0x2cd: {  	v1 =	vadd.f32 v2, v1;
	_ =	sdelay $0x1  }
0x2ce: {  	v44 =	vld [tilespmem:s20+$0x0];
	[tilespmem:s20+$0xFFFFFFF0] =	vst v1  }
0x2cf: {  	v0 =	vld.idx.msk [tilespmem:v0+s23+$0x0], $0xffff;
	_ =	sdelay $0x1  }
0x2d0: {  	v45 =	vld [tilespmem:$0xAC80];
	_ =	sdelay $0x2  }
0x2d1: {  	v1 =	vmul.f32 v44, v0;
	_ =	sdelay $0x1  }
0x2d2: {  	v1 =	vadd.f32 v45, v1  }
0x2d3: {  	v46 =	vld [tilespmem:s20+$0x10]  }
0x2d4: {  	[tilespmem:s20+$0x0] =	vst v1  }
0x2d5: {  	v1 =	vld [tilespmem:$0xAC90];
	_ =	sdelay $0x2  }
0x2d6: {  	v2 =	vmul.f32 v46, v0;
	_ =	sdelay $0x1  }
0x2d7: {  	v1 =	vadd.f32 v1, v2  }
0x2d8: {  	v47 =	vld [tilespmem:s20+$0x20]  }
0x2d9: {  	[tilespmem:s20+$0x10] =	vst v1  }
0x2da: {  	v1 =	vld [tilespmem:$0xACA0];
	_ =	sdelay $0x2  }
0x2db: {  	v2 =	vmul.f32 v47, v0;
	_ =	sdelay $0x1  }
0x2dc: {  	v1 =	vadd.f32 v1, v2  }
0x2dd: {  	v48 =	vld [tilespmem:s20+$0x30]  }
0x2de: {  	[tilespmem:s20+$0x20] =	vst v1  }
0x2df: {  	v1 =	vld [tilespmem:$0xACB0];
	_ =	sdelay $0x2  }
0x2e0: {  	v2 =	vmul.f32 v48, v0;
	_ =	sdelay $0x1  }
0x2e1: {  	v1 =	vadd.f32 v1, v2  }
0x2e2: {  	v49 =	vld [tilespmem:s20+$0x40]  }
0x2e3: {  	[tilespmem:s20+$0x30] =	vst v1  }
0x2e4: {  	v1 =	vld [tilespmem:$0xACC0];
	_ =	sdelay $0x2  }
0x2e5: {  	v2 =	vmul.f32 v49, v0;
	_ =	sdelay $0x1  }
0x2e6: {  	v1 =	vadd.f32 v1, v2  }
0x2e7: {  	v50 =	vld [tilespmem:s20+$0x50]  }
0x2e8: {  	[tilespmem:s20+$0x40] =	vst v1  }
0x2e9: {  	v1 =	vld [tilespmem:$0xACD0];
	_ =	sdelay $0x2  }
0x2ea: {  	v2 =	vmul.f32 v50, v0;
	_ =	sdelay $0x1  }
0x2eb: {  	v1 =	vadd.f32 v1, v2  }
0x2ec: {  	v51 =	vld [tilespmem:s20+$0x60]  }
0x2ed: {  	[tilespmem:s20+$0x50] =	vst v1  }
0x2ee: {  	v1 =	vld [tilespmem:$0xACE0];
	_ =	sdelay $0x2  }
0x2ef: {  	v2 =	vmul.f32 v51, v0;
	_ =	sdelay $0x1  }
0x2f0: {  	v1 =	vadd.f32 v1, v2  }
0x2f1: {  	v52 =	vld [tilespmem:s20+$0x70]  }
0x2f2: {  	[tilespmem:s20+$0x60] =	vst v1  }
0x2f3: {  	v1 =	vld [tilespmem:$0xACF0];
	_ =	sdelay $0x2  }
0x2f4: {  	v53 =	vmov s18;
	v0 =	vmul.f32 v52, v0;
	_ =	sdelay $0x1  }
0x2f5: {  	v0 =	vadd.f32 v1, v0;
	_ =	sdelay $0x1  }
0x2f6: {  	v54 =	vld [tilespmem:s20+$0x80];
	[tilespmem:s20+$0x70] =	vst v0  }
0x2f7: {  	v55 =	vld.idx.msk [tilespmem:v53+s23+$0x0], $0xffff;
	_ =	sdelay $0x1  }
0x2f8: {  	v56 =	vld [tilespmem:$0xAC80];
	_ =	sdelay $0x2  }
0x2f9: {  	v0 =	vmul.f32 v54, v55;
	_ =	sdelay $0x1  }
0x2fa: {  	v0 =	vadd.f32 v56, v0  }
0x2fb: {  	v57 =	vld [tilespmem:s20+$0x90]  }
0x2fc: {  	[tilespmem:s20+$0x80] =	vst v0  }
0x2fd: {  	v0 =	vld [tilespmem:$0xAC90];
	_ =	sdelay $0x2  }
0x2fe: {  	v2 =	vmul.f32 v57, v55;
	_ =	sdelay $0x1  }
0x2ff: {  	v0 =	vadd.f32 v0, v2  }
0x300: {  	v58 =	vld [tilespmem:s20+$0xA0]  }
0x301: {  	[tilespmem:s20+$0x90] =	vst v0  }
0x302: {  	v0 =	vld [tilespmem:$0xACA0];
	_ =	sdelay $0x2  }
0x303: {  	v2 =	vmul.f32 v58, v55;
	_ =	sdelay $0x1  }
0x304: {  	v0 =	vadd.f32 v0, v2  }
0x305: {  	v59 =	vld [tilespmem:s20+$0xB0]  }
0x306: {  	[tilespmem:s20+$0xA0] =	vst v0  }
0x307: {  	v0 =	vld [tilespmem:$0xACB0];
	_ =	sdelay $0x2  }
0x308: {  	v2 =	vmul.f32 v59, v55;
	_ =	sdelay $0x1  }
0x309: {  	v0 =	vadd.f32 v0, v2  }
0x30a: {  	v60 =	vld [tilespmem:s20+$0xC0]  }
0x30b: {  	[tilespmem:s20+$0xB0] =	vst v0  }
0x30c: {  	v0 =	vld [tilespmem:$0xACC0];
	_ =	sdelay $0x2  }
0x30d: {  	v2 =	vmul.f32 v60, v55;
	_ =	sdelay $0x1  }
0x30e: {  	v0 =	vadd.f32 v0, v2  }
0x30f: {  	v61 =	vld [tilespmem:s20+$0xD0]  }
0x310: {  	[tilespmem:s20+$0xC0] =	vst v0  }
0x311: {  	v0 =	vld [tilespmem:$0xACD0];
	_ =	sdelay $0x2  }
0x312: {  	v2 =	vmul.f32 v61, v55;
	_ =	sdelay $0x1  }
0x313: {  	v0 =	vadd.f32 v0, v2  }
0x314: {  	v62 =	vld [tilespmem:s20+$0xE0]  }
0x315: {  	[tilespmem:s20+$0xD0] =	vst v0  }
0x316: {  	v0 =	vld [tilespmem:$0xACE0];
	_ =	sdelay $0x2  }
0x317: {  	v2 =	vmul.f32 v62, v55;
	_ =	sdelay $0x1  }
0x318: {  	v0 =	vadd.f32 v0, v2  }
0x319: {  	v63 =	vld [tilespmem:s20+$0xF0]  }
0x31a: {  	[tilespmem:s20+$0xE0] =	vst v0  }
0x31b: {  	v0 =	vld [tilespmem:$0xACF0];
	_ =	sdelay $0x2  }
0x31c: {  	v1 =	vmul.f32 v63, v55;
	_ =	sdelay $0x1  }
0x31d: {  	s15 =	sadd.s32 $0x1, s15;
	v0 =	vadd.f32 v0, v1  }
0x31e: {  	s3 =	sshll.u32 s16, $0x5;
	p0 =	sne.s32 s15, $0x5  }
.Ltmp2:
0x31f: {  	s3 =	sadd.s32 s3, s9;
	[tilespmem:s20+$0xF0] =	vst v0;
	(pc) =	sbr.rel @p0 .LBB2_4-.Ltmp2, $4  }
0x320: {  	[hbm4b:s3+s11] =	stream.strided.scatter [tilespmem:s21], [sflag:$0x3], $0x4000, s12, s11, $0x38;
	[tilespmem:$0x1ED00] =	vst v63  }
0x321: {  	_ =	swait.ge [sflag:s22], $0x4000  }
0x322: {  	[sflag:s22] =	ssyncset.done $0x0  }
0x323: {  	s14 =	sadd.s32 $0x80, s14;
	[sflag:s22] =	ssyncadd.s32 $0xFFFFC000  }
0x324: {  	s13 =	sadd.s32 $0x1, s13;
	s3 =	rddreg [dreg:$0x8]  }
0x325: {  	p0 =	sne.s32 s13, s3  }
.Ltmp3:
0x326: {  	_ = 	snop;
	(pc) =	sbr.rel @p0 .LBB2_1-.Ltmp3, $1  }
0x327: {  	_ =	sdelay $0x3  }
0x328: {  	_ =	sfence.sel $0x180000  }
0x329: {  	[bflag:$0x0] =	sbarrier.arrive $0xFFFF  }
0x32a: {  	_ =	strace $0x9000004A  }
0x32b: {  	s0 =	stileid.u32;
	[bflag:$0x2] =	sbarrier.arrive $0xFFFF  }
0x32c: {  	p0 =	sne.s32 s0, $0x0;
	s0 =	rddreg [dreg:$0x4]  }
0x32d: {  	s0 =	sadd.s32 @!p0 $0x100000, s0  }
0x32e: {  	[sflag:s0] =	ssyncadd.tile.s32 @!p0 $0x1;
	_ =	shalt  }
.Lfunc_end2:
_tile_overlayer_lowered:
.L_overlay_start_2:
0x32f: {  	(tag) =	ssettag $0x2  }
0x330: {  	s0 =	rddreg [dreg:$0x0];
	s2 =	stileid.u32  }
0x331: {  	s1 =	rddreg [dreg:$0x1];
	p0 =	sne.s32 s2, $0x0  }
0x332: {  	s3 =	rddreg [dreg:$0x2];
	[bflag:$0x3] =	sbarrier.arrive $0xFFFF;
	s2 =	simm.s32 @!p0 $0x1C03  }
0x333: {  	[timem:s3], [sflag:s2] =	dma.local @!p0 [hbm:s0], s1  }
0x334: {  	s0 =	simm.s32 @!p0 $0x3  }
0x335: {  	_ =	swait.ge @!p0 [sflag:s0], s1  }
0x336: {  	s1 =	ssub.s32 @!p0 $0x0, s1;
	[sflag:s0] =	ssyncset.done @!p0 $0x0  }
0x337: {  	[sflag:s0] =	ssyncadd.s32 @!p0 s1  }
0x338: {  	[bflag:$0x3] =	sbarrier.arrive $0xFFFF  }
0x339: {  	_ =	shalt  }

</sc_bundles>
